<compile_context>
chip_gen: v7x
topology: tpu7x:2x2x1
jax: 0.10.2.dev20260603
libtpu: 0.0.44.dev20260713+nightly
codegen_flags: <defaults>
</compile_context>

<pallas_src>
import functools

import jax
import jax.numpy as jnp
from jax import lax
from jax.experimental import pallas as pl
from jax.experimental.pallas import tpu as pltpu
from jax.experimental.pallas import tpu_sc as plsc

L = 128
CG = 2
NBUF = 3


def kernel(tokens, word_weight):
    B, S = tokens.shape
    V, D = word_weight.shape
    N = B * S
    NC, NS = 2, 16
    NW = NC * NS
    GT = N // L
    per_w = GT // NW
    NCH = per_w // CG
    assert GT % NW == 0 and per_w % CG == 0 and (NCH - 1) % NBUF == 0

    idx2 = tokens.reshape(GT, L).astype(jnp.int32)
    mesh = plsc.VectorSubcoreMesh(core_axis_name="c", subcore_axis_name="s")

    @functools.partial(
        pl.kernel,
        mesh=mesh,
        out_type=jax.ShapeDtypeStruct((GT, L, D), jnp.float32),
        scratch_types=[
            pltpu.VMEM((NBUF, CG, L), jnp.int32),
            pltpu.VMEM((NBUF, CG, L, D), jnp.float32),
            [pltpu.SemaphoreType.DMA] * NBUF,
            [pltpu.SemaphoreType.DMA] * NBUF,
            [pltpu.SemaphoreType.DMA] * NBUF,
        ],
    )
    def emb(table_hbm, idx_hbm, out_hbm, idx_v, rows_v, isem, gsem, osem):
        wid = lax.axis_index("s") * NC + lax.axis_index("c")
        wbase = wid * per_w

        def fire_idx(c, b):
            goff = wbase + c * CG
            pltpu.async_copy(idx_hbm.at[pl.ds(goff, CG)], idx_v.at[b],
                             isem[b])

        def wait_idx(b):
            pltpu.make_async_copy(idx_hbm.at[pl.ds(wbase, CG)], idx_v.at[b],
                                  isem[b]).wait()

        def fire_gather(b):
            for j in range(CG):
                pltpu.async_copy(
                    table_hbm.at[idx_v.at[b, j]], rows_v.at[b, j], gsem[b])

        def wait_gather(b):
            for j in range(CG):
                pltpu.make_async_copy(
                    table_hbm.at[idx_v.at[b, j]], rows_v.at[b, j],
                    gsem[b]).wait()

        def fire_writeout(c, b):
            goff = wbase + c * CG
            pltpu.async_copy(rows_v.at[b], out_hbm.at[pl.ds(goff, CG)],
                             osem[b])

        def wait_writeout(b):
            pltpu.make_async_copy(rows_v.at[b], out_hbm.at[pl.ds(wbase, CG)],
                                  osem[b]).wait()

        for c in range(NBUF):
            fire_idx(c, c)
        wait_idx(0)
        fire_gather(0)
        wait_idx(1)
        fire_gather(1)
        wait_gather(0)
        fire_writeout(0, 0)
        fire_idx(NBUF, 0)
        wait_idx(2)
        fire_gather(2)
        wait_gather(1)
        fire_writeout(1, 1)
        fire_idx(NBUF + 1, 1)

        def trio(p, carry):
            for b in range(NBUF):
                v = p * NBUF + b
                wait_gather((b - 1) % NBUF)
                fire_writeout(v - 1, (b - 1) % NBUF)

                @pl.when(v + 2 < NCH)
                def _():
                    fire_idx(v + 2, (b + 2) % NBUF)

                wait_writeout(b)
                wait_idx(b)
                fire_gather(b)
            return carry

        lax.fori_loop(1, (NCH - 1) // NBUF, trio, 0)

        bl = (NCH - 1) % NBUF
        wait_gather((bl - 1) % NBUF)
        fire_writeout(NCH - 2, (bl - 1) % NBUF)
        wait_writeout(bl)
        wait_idx(bl)
        fire_gather(bl)
        wait_gather(bl)
        fire_writeout(NCH - 1, bl)
        for b in range(NBUF):
            wait_writeout(b)

    out = emb(word_weight, idx2)
    return out.reshape(B, S, D)

# --- scband reference (transcript-rebuilt; emitter-appended) ---
"""Pipeline reference for scband-token-embedding-360777253540 (READ-ONLY COPY).

The authoritative reference and input builder live on the scoring server;
editing this copy changes nothing except your own understanding.
"""

import jax, jax.numpy as jnp
import numpy as np

VOCAB = 100000
EMBED_DIM = 128
BATCH = 4096
SEQ = 200
UNK_IDX = 0


def setup_inputs(seed: int = 0) -> dict:
    key = jax.random.key(seed)
    k1, k2 = jax.random.split(key)
    tokens = jax.random.randint(k1, (BATCH, SEQ), 0, VOCAB, dtype=jnp.int64 if jax.config.jax_enable_x64 else jnp.int32)
    word_weight = jax.random.normal(k2, (VOCAB, EMBED_DIM), dtype=jnp.float32) * 0.02
    # TokenEmbedding.from_config zeroes the UNK row of the word embedding table
    word_weight = word_weight.at[UNK_IDX].set(0.0)
    return {"tokens": tokens, "word_weight": word_weight}


def reference(tokens, word_weight):
    # Faithful translation of TokenEmbedding.forward with only word_embed active:
    # word_emb = self.word_embed(tokens); embeddings = [word_emb]; return torch.cat(embeddings, 2)
    word_emb = jnp.take(word_weight, tokens, axis=0)  # [B, S, D]
    embeddings = [word_emb]
    return jnp.concatenate(embeddings, axis=2)

if __name__ == "__main__":
    import jax
    _d = setup_inputs()
    print(jax.jit(kernel)(*tuple(_d.values())))

</pallas_src>

<mosaic_0001>
#map = affine_map<(d0, d1) -> (0, 0)>
#map1 = affine_map<(d0, d1) -> (0, 0, 0)>
module attributes {stable_mosaic.version = 14 : i64} {
  func.func @emb(%arg0: i32, %arg1: i32, %arg2: memref<100000x128xf32, #tpu.memory_space<hbm>>, %arg3: memref<6400x128xi32, #tpu.memory_space<hbm>>, %arg4: memref<6400x128x128xf32, #tpu.memory_space<hbm>>, %arg5: memref<3x2x128xi32, #tpu.memory_space<vmem>>, %arg6: memref<3x2x128x128xf32, #tpu.memory_space<vmem>>, %arg7: memref<!tpu.dma_semaphore, #tpu.memory_space<semaphore_mem>>, %arg8: memref<!tpu.dma_semaphore, #tpu.memory_space<semaphore_mem>>, %arg9: memref<!tpu.dma_semaphore, #tpu.memory_space<semaphore_mem>>, %arg10: memref<!tpu.dma_semaphore, #tpu.memory_space<semaphore_mem>>, %arg11: memref<!tpu.dma_semaphore, #tpu.memory_space<semaphore_mem>>, %arg12: memref<!tpu.dma_semaphore, #tpu.memory_space<semaphore_mem>>, %arg13: memref<!tpu.dma_semaphore, #tpu.memory_space<semaphore_mem>>, %arg14: memref<!tpu.dma_semaphore, #tpu.memory_space<semaphore_mem>>, %arg15: memref<!tpu.dma_semaphore, #tpu.memory_space<semaphore_mem>>) attributes {dimension_semantics = [#tpu.dimension_semantics<core_parallel>, #tpu.dimension_semantics<subcore_parallel>], iteration_bounds = array<i64: 2, 16>, scalar_prefetch = 0 : i64, scratch_operands = 11 : i64, tpu.core_type = #tpu.core_type<sc_vector_subcore>, window_params = [{transform_indices = #map}, {transform_indices = #map}, {transform_indices = #map1}]} {
    %mul3A = arith.constant 2 : i32
    %mul3A_0 = arith.muli %arg1, %mul3A : i32
    %add3A = arith.addi %mul3A_0, %arg0 : i32
    %mul3A_1 = arith.constant 200 : i32
    %mul3A_2 = arith.muli %add3A, %mul3A_1 : i32
    %add3A_3 = arith.constant 0 : i32
    %add3A_4 = arith.addi %mul3A_2, %add3A_3 : i32
    %dma_start3A = arith.constant 0 : i32
    %dma_start3A_5 = arith.constant 0 : i32
    %dma_start3A_6 = arith.constant 0 : i32
    %dma_start3A_7 = tpu.memref_slice %arg5[%dma_start3A, %dma_start3A_5, %dma_start3A_6] : memref<3x2x128xi32, #tpu.memory_space<vmem>> -> memref<1x2x128xi32, #tpu.memory_space<vmem>>
    %dma_start3A_8 = tpu.memref_squeeze %dma_start3A_7 : memref<1x2x128xi32, #tpu.memory_space<vmem>> -> memref<2x128xi32, #tpu.memory_space<vmem>>
    %dma_start3A_9 = arith.constant 0 : i32
    %dma_start3A_10 = tpu.memref_slice %arg3[%add3A_4, %dma_start3A_9] : memref<6400x128xi32, #tpu.memory_space<hbm>> -> memref<2x128xi32, #tpu.memory_space<hbm>>
    %dma_start3A_11 = arith.constant 0 : i32
    %dma_start3A_12 = arith.constant 0 : i32
    %dma_start3A_13 = tpu.memref_slice %arg5[%dma_start3A, %dma_start3A_11, %dma_start3A_12] : memref<3x2x128xi32, #tpu.memory_space<vmem>> -> memref<1x2x128xi32, #tpu.memory_space<vmem>>
    %dma_start3A_14 = tpu.memref_squeeze %dma_start3A_13 : memref<1x2x128xi32, #tpu.memory_space<vmem>> -> memref<2x128xi32, #tpu.memory_space<vmem>>
    %dma_start3A_15 = arith.constant 0 : i32
    %dma_start3A_16 = tpu.memref_slice %arg3[%add3A_4, %dma_start3A_15] : memref<6400x128xi32, #tpu.memory_space<hbm>> -> memref<2x128xi32, #tpu.memory_space<hbm>>
    tpu.enqueue_dma source(%dma_start3A_16 : memref<2x128xi32, #tpu.memory_space<hbm>>) target(%dma_start3A_14 : memref<2x128xi32, #tpu.memory_space<vmem>>) target_semaphore(%arg7 : memref<!tpu.dma_semaphore, #tpu.memory_space<semaphore_mem>>)
    %add3A_17 = arith.constant 2 : i32
    %add3A_18 = arith.addi %mul3A_2, %add3A_17 : i32
    %dma_start3A_19 = arith.constant 1 : i32
    %dma_start3A_20 = arith.constant 0 : i32
    %dma_start3A_21 = arith.constant 0 : i32
    %dma_start3A_22 = tpu.memref_slice %arg5[%dma_start3A_19, %dma_start3A_20, %dma_start3A_21] : memref<3x2x128xi32, #tpu.memory_space<vmem>> -> memref<1x2x128xi32, #tpu.memory_space<vmem>>
    %dma_start3A_23 = tpu.memref_squeeze %dma_start3A_22 : memref<1x2x128xi32, #tpu.memory_space<vmem>> -> memref<2x128xi32, #tpu.memory_space<vmem>>
    %dma_start3A_24 = arith.constant 0 : i32
    %dma_start3A_25 = tpu.memref_slice %arg3[%add3A_18, %dma_start3A_24] : memref<6400x128xi32, #tpu.memory_space<hbm>> -> memref<2x128xi32, #tpu.memory_space<hbm>>
    %dma_start3A_26 = arith.constant 0 : i32
    %dma_start3A_27 = arith.constant 0 : i32
    %dma_start3A_28 = tpu.memref_slice %arg5[%dma_start3A_19, %dma_start3A_26, %dma_start3A_27] : memref<3x2x128xi32, #tpu.memory_space<vmem>> -> memref<1x2x128xi32, #tpu.memory_space<vmem>>
    %dma_start3A_29 = tpu.memref_squeeze %dma_start3A_28 : memref<1x2x128xi32, #tpu.memory_space<vmem>> -> memref<2x128xi32, #tpu.memory_space<vmem>>
    %dma_start3A_30 = arith.constant 0 : i32
    %dma_start3A_31 = tpu.memref_slice %arg3[%add3A_18, %dma_start3A_30] : memref<6400x128xi32, #tpu.memory_space<hbm>> -> memref<2x128xi32, #tpu.memory_space<hbm>>
    tpu.enqueue_dma source(%dma_start3A_31 : memref<2x128xi32, #tpu.memory_space<hbm>>) target(%dma_start3A_29 : memref<2x128xi32, #tpu.memory_space<vmem>>) target_semaphore(%arg8 : memref<!tpu.dma_semaphore, #tpu.memory_space<semaphore_mem>>)
    %add3A_32 = arith.constant 4 : i32
    %add3A_33 = arith.addi %mul3A_2, %add3A_32 : i32
    %dma_start3A_34 = arith.constant 2 : i32
    %dma_start3A_35 = arith.constant 0 : i32
    %dma_start3A_36 = arith.constant 0 : i32
    %dma_start3A_37 = tpu.memref_slice %arg5[%dma_start3A_34, %dma_start3A_35, %dma_start3A_36] : memref<3x2x128xi32, #tpu.memory_space<vmem>> -> memref<1x2x128xi32, #tpu.memory_space<vmem>>
    %dma_start3A_38 = tpu.memref_squeeze %dma_start3A_37 : memref<1x2x128xi32, #tpu.memory_space<vmem>> -> memref<2x128xi32, #tpu.memory_space<vmem>>
    %dma_start3A_39 = arith.constant 0 : i32
    %dma_start3A_40 = tpu.memref_slice %arg3[%add3A_33, %dma_start3A_39] : memref<6400x128xi32, #tpu.memory_space<hbm>> -> memref<2x128xi32, #tpu.memory_space<hbm>>
    %dma_start3A_41 = arith.constant 0 : i32
    %dma_start3A_42 = arith.constant 0 : i32
    %dma_start3A_43 = tpu.memref_slice %arg5[%dma_start3A_34, %dma_start3A_41, %dma_start3A_42] : memref<3x2x128xi32, #tpu.memory_space<vmem>> -> memref<1x2x128xi32, #tpu.memory_space<vmem>>
    %dma_start3A_44 = tpu.memref_squeeze %dma_start3A_43 : memref<1x2x128xi32, #tpu.memory_space<vmem>> -> memref<2x128xi32, #tpu.memory_space<vmem>>
    %dma_start3A_45 = arith.constant 0 : i32
    %dma_start3A_46 = tpu.memref_slice %arg3[%add3A_33, %dma_start3A_45] : memref<6400x128xi32, #tpu.memory_space<hbm>> -> memref<2x128xi32, #tpu.memory_space<hbm>>
    tpu.enqueue_dma source(%dma_start3A_46 : memref<2x128xi32, #tpu.memory_space<hbm>>) target(%dma_start3A_44 : memref<2x128xi32, #tpu.memory_space<vmem>>) target_semaphore(%arg9 : memref<!tpu.dma_semaphore, #tpu.memory_space<semaphore_mem>>)
    %dma_wait3A = arith.constant 0 : i32
    %dma_wait3A_47 = arith.constant 0 : i32
    %dma_wait3A_48 = arith.constant 0 : i32
    %dma_wait3A_49 = tpu.memref_slice %arg5[%dma_wait3A, %dma_wait3A_47, %dma_wait3A_48] : memref<3x2x128xi32, #tpu.memory_space<vmem>> -> memref<1x2x128xi32, #tpu.memory_space<vmem>>
    %dma_wait3A_50 = tpu.memref_squeeze %dma_wait3A_49 : memref<1x2x128xi32, #tpu.memory_space<vmem>> -> memref<2x128xi32, #tpu.memory_space<vmem>>
    %dma_wait3A_51 = arith.constant 0 : i32
    %dma_wait3A_52 = tpu.memref_slice %arg3[%mul3A_2, %dma_wait3A_51] : memref<6400x128xi32, #tpu.memory_space<hbm>> -> memref<2x128xi32, #tpu.memory_space<hbm>>
    %dma_wait3A_53 = arith.constant 0 : i32
    %dma_wait3A_54 = arith.constant 0 : i32
    %dma_wait3A_55 = tpu.memref_slice %arg5[%dma_wait3A, %dma_wait3A_53, %dma_wait3A_54] : memref<3x2x128xi32, #tpu.memory_space<vmem>> -> memref<1x2x128xi32, #tpu.memory_space<vmem>>
    %dma_wait3A_56 = tpu.memref_squeeze %dma_wait3A_55 : memref<1x2x128xi32, #tpu.memory_space<vmem>> -> memref<2x128xi32, #tpu.memory_space<vmem>>
    %dma_wait3A_57 = arith.constant 0 : i32
    %dma_wait3A_58 = tpu.memref_slice %arg3[%mul3A_2, %dma_wait3A_57] : memref<6400x128xi32, #tpu.memory_space<hbm>> -> memref<2x128xi32, #tpu.memory_space<hbm>>
    tpu.wait_dma2 semaphore(%arg7 : memref<!tpu.dma_semaphore, #tpu.memory_space<semaphore_mem>>) src(%dma_wait3A_58 : memref<2x128xi32, #tpu.memory_space<hbm>>) dst(%dma_wait3A_56 : memref<2x128xi32, #tpu.memory_space<vmem>>)
    %dma_start3A_59 = arith.constant 0 : i32
    %dma_start3A_60 = arith.constant 0 : i32
    %dma_start3A_61 = arith.constant 0 : i32
    %dma_start3A_62 = arith.constant 0 : i32
    %dma_start3A_63 = arith.constant 0 : i32
    %dma_start3A_64 = arith.constant 0 : i32
    %dma_start3A_65 = tpu.memref_slice %arg6[%dma_start3A_61, %dma_start3A_62, %dma_start3A_63, %dma_start3A_64] : memref<3x2x128x128xf32, #tpu.memory_space<vmem>> -> memref<1x1x128x128xf32, #tpu.memory_space<vmem>>
    %dma_start3A_66 = tpu.memref_squeeze %dma_start3A_65 : memref<1x1x128x128xf32, #tpu.memory_space<vmem>> -> memref<128x128xf32, #tpu.memory_space<vmem>>
    %dma_start3A_67 = arith.constant 0 : i32
    %dma_start3A_68 = tpu.memref_slice %arg5[%dma_start3A_59, %dma_start3A_60, %dma_start3A_67] : memref<3x2x128xi32, #tpu.memory_space<vmem>> -> memref<1x1x128xi32, #tpu.memory_space<vmem>>
    %dma_start3A_69 = tpu.memref_squeeze %dma_start3A_68 : memref<1x1x128xi32, #tpu.memory_space<vmem>> -> memref<128xi32, #tpu.memory_space<vmem>>
    %dma_start3A_70 = arith.constant 0 : i32
    %dma_start3A_71 = arith.constant 0 : i32
    %dma_start3A_72 = tpu.memref_slice %arg2[%dma_start3A_70, %dma_start3A_71] : memref<100000x128xf32, #tpu.memory_space<hbm>> -> memref<100000x128xf32, #tpu.memory_space<hbm>>
    tpu.enqueue_indirect_dma source(%dma_start3A_72 : memref<100000x128xf32, #tpu.memory_space<hbm>>) target(%dma_start3A_66 : memref<128x128xf32, #tpu.memory_space<vmem>>) offsets(%dma_start3A_69 : memref<128xi32, #tpu.memory_space<vmem>>) semaphore(%arg10 : memref<!tpu.dma_semaphore, #tpu.memory_space<semaphore_mem>>)
    %dma_start3A_73 = arith.constant 0 : i32
    %dma_start3A_74 = arith.constant 1 : i32
    %dma_start3A_75 = arith.constant 0 : i32
    %dma_start3A_76 = arith.constant 1 : i32
    %dma_start3A_77 = arith.constant 0 : i32
    %dma_start3A_78 = arith.constant 0 : i32
    %dma_start3A_79 = tpu.memref_slice %arg6[%dma_start3A_75, %dma_start3A_76, %dma_start3A_77, %dma_start3A_78] : memref<3x2x128x128xf32, #tpu.memory_space<vmem>> -> memref<1x1x128x128xf32, #tpu.memory_space<vmem>>
    %dma_start3A_80 = tpu.memref_squeeze %dma_start3A_79 : memref<1x1x128x128xf32, #tpu.memory_space<vmem>> -> memref<128x128xf32, #tpu.memory_space<vmem>>
    %dma_start3A_81 = arith.constant 0 : i32
    %dma_start3A_82 = tpu.memref_slice %arg5[%dma_start3A_73, %dma_start3A_74, %dma_start3A_81] : memref<3x2x128xi32, #tpu.memory_space<vmem>> -> memref<1x1x128xi32, #tpu.memory_space<vmem>>
    %dma_start3A_83 = tpu.memref_squeeze %dma_start3A_82 : memref<1x1x128xi32, #tpu.memory_space<vmem>> -> memref<128xi32, #tpu.memory_space<vmem>>
    %dma_start3A_84 = arith.constant 0 : i32
    %dma_start3A_85 = arith.constant 0 : i32
    %dma_start3A_86 = tpu.memref_slice %arg2[%dma_start3A_84, %dma_start3A_85] : memref<100000x128xf32, #tpu.memory_space<hbm>> -> memref<100000x128xf32, #tpu.memory_space<hbm>>
    tpu.enqueue_indirect_dma source(%dma_start3A_86 : memref<100000x128xf32, #tpu.memory_space<hbm>>) target(%dma_start3A_80 : memref<128x128xf32, #tpu.memory_space<vmem>>) offsets(%dma_start3A_83 : memref<128xi32, #tpu.memory_space<vmem>>) semaphore(%arg10 : memref<!tpu.dma_semaphore, #tpu.memory_space<semaphore_mem>>)
    %dma_wait3A_87 = arith.constant 1 : i32
    %dma_wait3A_88 = arith.constant 0 : i32
    %dma_wait3A_89 = arith.constant 0 : i32
    %dma_wait3A_90 = tpu.memref_slice %arg5[%dma_wait3A_87, %dma_wait3A_88, %dma_wait3A_89] : memref<3x2x128xi32, #tpu.memory_space<vmem>> -> memref<1x2x128xi32, #tpu.memory_space<vmem>>
    %dma_wait3A_91 = tpu.memref_squeeze %dma_wait3A_90 : memref<1x2x128xi32, #tpu.memory_space<vmem>> -> memref<2x128xi32, #tpu.memory_space<vmem>>
    %dma_wait3A_92 = arith.constant 0 : i32
    %dma_wait3A_93 = tpu.memref_slice %arg3[%mul3A_2, %dma_wait3A_92] : memref<6400x128xi32, #tpu.memory_space<hbm>> -> memref<2x128xi32, #tpu.memory_space<hbm>>
    %dma_wait3A_94 = arith.constant 0 : i32
    %dma_wait3A_95 = arith.constant 0 : i32
    %dma_wait3A_96 = tpu.memref_slice %arg5[%dma_wait3A_87, %dma_wait3A_94, %dma_wait3A_95] : memref<3x2x128xi32, #tpu.memory_space<vmem>> -> memref<1x2x128xi32, #tpu.memory_space<vmem>>
    %dma_wait3A_97 = tpu.memref_squeeze %dma_wait3A_96 : memref<1x2x128xi32, #tpu.memory_space<vmem>> -> memref<2x128xi32, #tpu.memory_space<vmem>>
    %dma_wait3A_98 = arith.constant 0 : i32
    %dma_wait3A_99 = tpu.memref_slice %arg3[%mul3A_2, %dma_wait3A_98] : memref<6400x128xi32, #tpu.memory_space<hbm>> -> memref<2x128xi32, #tpu.memory_space<hbm>>
    tpu.wait_dma2 semaphore(%arg8 : memref<!tpu.dma_semaphore, #tpu.memory_space<semaphore_mem>>) src(%dma_wait3A_99 : memref<2x128xi32, #tpu.memory_space<hbm>>) dst(%dma_wait3A_97 : memref<2x128xi32, #tpu.memory_space<vmem>>)
    %dma_start3A_100 = arith.constant 1 : i32
    %dma_start3A_101 = arith.constant 0 : i32
    %dma_start3A_102 = arith.constant 1 : i32
    %dma_start3A_103 = arith.constant 0 : i32
    %dma_start3A_104 = arith.constant 0 : i32
    %dma_start3A_105 = arith.constant 0 : i32
    %dma_start3A_106 = tpu.memref_slice %arg6[%dma_start3A_102, %dma_start3A_103, %dma_start3A_104, %dma_start3A_105] : memref<3x2x128x128xf32, #tpu.memory_space<vmem>> -> memref<1x1x128x128xf32, #tpu.memory_space<vmem>>
    %dma_start3A_107 = tpu.memref_squeeze %dma_start3A_106 : memref<1x1x128x128xf32, #tpu.memory_space<vmem>> -> memref<128x128xf32, #tpu.memory_space<vmem>>
    %dma_start3A_108 = arith.constant 0 : i32
    %dma_start3A_109 = tpu.memref_slice %arg5[%dma_start3A_100, %dma_start3A_101, %dma_start3A_108] : memref<3x2x128xi32, #tpu.memory_space<vmem>> -> memref<1x1x128xi32, #tpu.memory_space<vmem>>
    %dma_start3A_110 = tpu.memref_squeeze %dma_start3A_109 : memref<1x1x128xi32, #tpu.memory_space<vmem>> -> memref<128xi32, #tpu.memory_space<vmem>>
    %dma_start3A_111 = arith.constant 0 : i32
    %dma_start3A_112 = arith.constant 0 : i32
    %dma_start3A_113 = tpu.memref_slice %arg2[%dma_start3A_111, %dma_start3A_112] : memref<100000x128xf32, #tpu.memory_space<hbm>> -> memref<100000x128xf32, #tpu.memory_space<hbm>>
    tpu.enqueue_indirect_dma source(%dma_start3A_113 : memref<100000x128xf32, #tpu.memory_space<hbm>>) target(%dma_start3A_107 : memref<128x128xf32, #tpu.memory_space<vmem>>) offsets(%dma_start3A_110 : memref<128xi32, #tpu.memory_space<vmem>>) semaphore(%arg11 : memref<!tpu.dma_semaphore, #tpu.memory_space<semaphore_mem>>)
    %dma_start3A_114 = arith.constant 1 : i32
    %dma_start3A_115 = arith.constant 1 : i32
    %dma_start3A_116 = arith.constant 1 : i32
    %dma_start3A_117 = arith.constant 1 : i32
    %dma_start3A_118 = arith.constant 0 : i32
    %dma_start3A_119 = arith.constant 0 : i32
    %dma_start3A_120 = tpu.memref_slice %arg6[%dma_start3A_116, %dma_start3A_117, %dma_start3A_118, %dma_start3A_119] : memref<3x2x128x128xf32, #tpu.memory_space<vmem>> -> memref<1x1x128x128xf32, #tpu.memory_space<vmem>>
    %dma_start3A_121 = tpu.memref_squeeze %dma_start3A_120 : memref<1x1x128x128xf32, #tpu.memory_space<vmem>> -> memref<128x128xf32, #tpu.memory_space<vmem>>
    %dma_start3A_122 = arith.constant 0 : i32
    %dma_start3A_123 = tpu.memref_slice %arg5[%dma_start3A_114, %dma_start3A_115, %dma_start3A_122] : memref<3x2x128xi32, #tpu.memory_space<vmem>> -> memref<1x1x128xi32, #tpu.memory_space<vmem>>
    %dma_start3A_124 = tpu.memref_squeeze %dma_start3A_123 : memref<1x1x128xi32, #tpu.memory_space<vmem>> -> memref<128xi32, #tpu.memory_space<vmem>>
    %dma_start3A_125 = arith.constant 0 : i32
    %dma_start3A_126 = arith.constant 0 : i32
    %dma_start3A_127 = tpu.memref_slice %arg2[%dma_start3A_125, %dma_start3A_126] : memref<100000x128xf32, #tpu.memory_space<hbm>> -> memref<100000x128xf32, #tpu.memory_space<hbm>>
    tpu.enqueue_indirect_dma source(%dma_start3A_127 : memref<100000x128xf32, #tpu.memory_space<hbm>>) target(%dma_start3A_121 : memref<128x128xf32, #tpu.memory_space<vmem>>) offsets(%dma_start3A_124 : memref<128xi32, #tpu.memory_space<vmem>>) semaphore(%arg11 : memref<!tpu.dma_semaphore, #tpu.memory_space<semaphore_mem>>)
    %dma_wait3A_128 = arith.constant 0 : i32
    %dma_wait3A_129 = arith.constant 0 : i32
    %dma_wait3A_130 = arith.constant 0 : i32
    %dma_wait3A_131 = arith.constant 0 : i32
    %dma_wait3A_132 = arith.constant 0 : i32
    %dma_wait3A_133 = arith.constant 0 : i32
    %dma_wait3A_134 = tpu.memref_slice %arg6[%dma_wait3A_130, %dma_wait3A_131, %dma_wait3A_132, %dma_wait3A_133] : memref<3x2x128x128xf32, #tpu.memory_space<vmem>> -> memref<1x1x128x128xf32, #tpu.memory_space<vmem>>
    %dma_wait3A_135 = tpu.memref_squeeze %dma_wait3A_134 : memref<1x1x128x128xf32, #tpu.memory_space<vmem>> -> memref<128x128xf32, #tpu.memory_space<vmem>>
    %dma_wait3A_136 = arith.constant 0 : i32
    %dma_wait3A_137 = tpu.memref_slice %arg5[%dma_wait3A_128, %dma_wait3A_129, %dma_wait3A_136] : memref<3x2x128xi32, #tpu.memory_space<vmem>> -> memref<1x1x128xi32, #tpu.memory_space<vmem>>
    %dma_wait3A_138 = tpu.memref_squeeze %dma_wait3A_137 : memref<1x1x128xi32, #tpu.memory_space<vmem>> -> memref<128xi32, #tpu.memory_space<vmem>>
    %dma_wait3A_139 = arith.constant 0 : i32
    %dma_wait3A_140 = arith.constant 0 : i32
    %dma_wait3A_141 = tpu.memref_slice %arg2[%dma_wait3A_139, %dma_wait3A_140] : memref<100000x128xf32, #tpu.memory_space<hbm>> -> memref<100000x128xf32, #tpu.memory_space<hbm>>
    tpu.wait_indirect_dma semaphore(%arg10 : memref<!tpu.dma_semaphore, #tpu.memory_space<semaphore_mem>>) src(%dma_wait3A_141 : memref<100000x128xf32, #tpu.memory_space<hbm>>) dst(%dma_wait3A_135 : memref<128x128xf32, #tpu.memory_space<vmem>>)
    %dma_wait3A_142 = arith.constant 0 : i32
    %dma_wait3A_143 = arith.constant 1 : i32
    %dma_wait3A_144 = arith.constant 0 : i32
    %dma_wait3A_145 = arith.constant 1 : i32
    %dma_wait3A_146 = arith.constant 0 : i32
    %dma_wait3A_147 = arith.constant 0 : i32
    %dma_wait3A_148 = tpu.memref_slice %arg6[%dma_wait3A_144, %dma_wait3A_145, %dma_wait3A_146, %dma_wait3A_147] : memref<3x2x128x128xf32, #tpu.memory_space<vmem>> -> memref<1x1x128x128xf32, #tpu.memory_space<vmem>>
    %dma_wait3A_149 = tpu.memref_squeeze %dma_wait3A_148 : memref<1x1x128x128xf32, #tpu.memory_space<vmem>> -> memref<128x128xf32, #tpu.memory_space<vmem>>
    %dma_wait3A_150 = arith.constant 0 : i32
    %dma_wait3A_151 = tpu.memref_slice %arg5[%dma_wait3A_142, %dma_wait3A_143, %dma_wait3A_150] : memref<3x2x128xi32, #tpu.memory_space<vmem>> -> memref<1x1x128xi32, #tpu.memory_space<vmem>>
    %dma_wait3A_152 = tpu.memref_squeeze %dma_wait3A_151 : memref<1x1x128xi32, #tpu.memory_space<vmem>> -> memref<128xi32, #tpu.memory_space<vmem>>
    %dma_wait3A_153 = arith.constant 0 : i32
    %dma_wait3A_154 = arith.constant 0 : i32
    %dma_wait3A_155 = tpu.memref_slice %arg2[%dma_wait3A_153, %dma_wait3A_154] : memref<100000x128xf32, #tpu.memory_space<hbm>> -> memref<100000x128xf32, #tpu.memory_space<hbm>>
    tpu.wait_indirect_dma semaphore(%arg10 : memref<!tpu.dma_semaphore, #tpu.memory_space<semaphore_mem>>) src(%dma_wait3A_155 : memref<100000x128xf32, #tpu.memory_space<hbm>>) dst(%dma_wait3A_149 : memref<128x128xf32, #tpu.memory_space<vmem>>)
    %add3A_156 = arith.constant 0 : i32
    %add3A_157 = arith.addi %mul3A_2, %add3A_156 : i32
    %dma_start3A_158 = arith.constant 0 : i32
    %dma_start3A_159 = arith.constant 0 : i32
    %dma_start3A_160 = arith.constant 0 : i32
    %dma_start3A_161 = arith.constant 0 : i32
    %dma_start3A_162 = tpu.memref_slice %arg6[%dma_start3A_158, %dma_start3A_159, %dma_start3A_160, %dma_start3A_161] : memref<3x2x128x128xf32, #tpu.memory_space<vmem>> -> memref<1x2x128x128xf32, #tpu.memory_space<vmem>>
    %dma_start3A_163 = tpu.memref_squeeze %dma_start3A_162 : memref<1x2x128x128xf32, #tpu.memory_space<vmem>> -> memref<2x128x128xf32, #tpu.memory_space<vmem>>
    %dma_start3A_164 = arith.constant 0 : i32
    %dma_start3A_165 = arith.constant 0 : i32
    %dma_start3A_166 = tpu.memref_slice %arg4[%add3A_157, %dma_start3A_164, %dma_start3A_165] : memref<6400x128x128xf32, #tpu.memory_space<hbm>> -> memref<2x128x128xf32, #tpu.memory_space<hbm>>
    %dma_start3A_167 = arith.constant 0 : i32
    %dma_start3A_168 = arith.constant 0 : i32
    %dma_start3A_169 = tpu.memref_slice %arg4[%add3A_157, %dma_start3A_167, %dma_start3A_168] : memref<6400x128x128xf32, #tpu.memory_space<hbm>> -> memref<2x128x128xf32, #tpu.memory_space<hbm>>
    %dma_start3A_170 = arith.constant 0 : i32
    %dma_start3A_171 = arith.constant 0 : i32
    %dma_start3A_172 = arith.constant 0 : i32
    %dma_start3A_173 = tpu.memref_slice %arg6[%dma_start3A_158, %dma_start3A_170, %dma_start3A_171, %dma_start3A_172] : memref<3x2x128x128xf32, #tpu.memory_space<vmem>> -> memref<1x2x128x128xf32, #tpu.memory_space<vmem>>
    %dma_start3A_174 = tpu.memref_squeeze %dma_start3A_173 : memref<1x2x128x128xf32, #tpu.memory_space<vmem>> -> memref<2x128x128xf32, #tpu.memory_space<vmem>>
    tpu.enqueue_dma source(%dma_start3A_174 : memref<2x128x128xf32, #tpu.memory_space<vmem>>) target(%dma_start3A_169 : memref<2x128x128xf32, #tpu.memory_space<hbm>>) target_semaphore(%arg13 : memref<!tpu.dma_semaphore, #tpu.memory_space<semaphore_mem>>)
    %add3A_175 = arith.constant 6 : i32
    %add3A_176 = arith.addi %mul3A_2, %add3A_175 : i32
    %dma_start3A_177 = arith.constant 0 : i32
    %dma_start3A_178 = arith.constant 0 : i32
    %dma_start3A_179 = arith.constant 0 : i32
    %dma_start3A_180 = tpu.memref_slice %arg5[%dma_start3A_177, %dma_start3A_178, %dma_start3A_179] : memref<3x2x128xi32, #tpu.memory_space<vmem>> -> memref<1x2x128xi32, #tpu.memory_space<vmem>>
    %dma_start3A_181 = tpu.memref_squeeze %dma_start3A_180 : memref<1x2x128xi32, #tpu.memory_space<vmem>> -> memref<2x128xi32, #tpu.memory_space<vmem>>
    %dma_start3A_182 = arith.constant 0 : i32
    %dma_start3A_183 = tpu.memref_slice %arg3[%add3A_176, %dma_start3A_182] : memref<6400x128xi32, #tpu.memory_space<hbm>> -> memref<2x128xi32, #tpu.memory_space<hbm>>
    %dma_start3A_184 = arith.constant 0 : i32
    %dma_start3A_185 = arith.constant 0 : i32
    %dma_start3A_186 = tpu.memref_slice %arg5[%dma_start3A_177, %dma_start3A_184, %dma_start3A_185] : memref<3x2x128xi32, #tpu.memory_space<vmem>> -> memref<1x2x128xi32, #tpu.memory_space<vmem>>
    %dma_start3A_187 = tpu.memref_squeeze %dma_start3A_186 : memref<1x2x128xi32, #tpu.memory_space<vmem>> -> memref<2x128xi32, #tpu.memory_space<vmem>>
    %dma_start3A_188 = arith.constant 0 : i32
    %dma_start3A_189 = tpu.memref_slice %arg3[%add3A_176, %dma_start3A_188] : memref<6400x128xi32, #tpu.memory_space<hbm>> -> memref<2x128xi32, #tpu.memory_space<hbm>>
    tpu.enqueue_dma source(%dma_start3A_189 : memref<2x128xi32, #tpu.memory_space<hbm>>) target(%dma_start3A_187 : memref<2x128xi32, #tpu.memory_space<vmem>>) target_semaphore(%arg7 : memref<!tpu.dma_semaphore, #tpu.memory_space<semaphore_mem>>)
    %dma_wait3A_190 = arith.constant 2 : i32
    %dma_wait3A_191 = arith.constant 0 : i32
    %dma_wait3A_192 = arith.constant 0 : i32
    %dma_wait3A_193 = tpu.memref_slice %arg5[%dma_wait3A_190, %dma_wait3A_191, %dma_wait3A_192] : memref<3x2x128xi32, #tpu.memory_space<vmem>> -> memref<1x2x128xi32, #tpu.memory_space<vmem>>
    %dma_wait3A_194 = tpu.memref_squeeze %dma_wait3A_193 : memref<1x2x128xi32, #tpu.memory_space<vmem>> -> memref<2x128xi32, #tpu.memory_space<vmem>>
    %dma_wait3A_195 = arith.constant 0 : i32
    %dma_wait3A_196 = tpu.memref_slice %arg3[%mul3A_2, %dma_wait3A_195] : memref<6400x128xi32, #tpu.memory_space<hbm>> -> memref<2x128xi32, #tpu.memory_space<hbm>>
    %dma_wait3A_197 = arith.constant 0 : i32
    %dma_wait3A_198 = arith.constant 0 : i32
    %dma_wait3A_199 = tpu.memref_slice %arg5[%dma_wait3A_190, %dma_wait3A_197, %dma_wait3A_198] : memref<3x2x128xi32, #tpu.memory_space<vmem>> -> memref<1x2x128xi32, #tpu.memory_space<vmem>>
    %dma_wait3A_200 = tpu.memref_squeeze %dma_wait3A_199 : memref<1x2x128xi32, #tpu.memory_space<vmem>> -> memref<2x128xi32, #tpu.memory_space<vmem>>
    %dma_wait3A_201 = arith.constant 0 : i32
    %dma_wait3A_202 = tpu.memref_slice %arg3[%mul3A_2, %dma_wait3A_201] : memref<6400x128xi32, #tpu.memory_space<hbm>> -> memref<2x128xi32, #tpu.memory_space<hbm>>
    tpu.wait_dma2 semaphore(%arg9 : memref<!tpu.dma_semaphore, #tpu.memory_space<semaphore_mem>>) src(%dma_wait3A_202 : memref<2x128xi32, #tpu.memory_space<hbm>>) dst(%dma_wait3A_200 : memref<2x128xi32, #tpu.memory_space<vmem>>)
    %dma_start3A_203 = arith.constant 2 : i32
    %dma_start3A_204 = arith.constant 0 : i32
    %dma_start3A_205 = arith.constant 2 : i32
    %dma_start3A_206 = arith.constant 0 : i32
    %dma_start3A_207 = arith.constant 0 : i32
    %dma_start3A_208 = arith.constant 0 : i32
    %dma_start3A_209 = tpu.memref_slice %arg6[%dma_start3A_205, %dma_start3A_206, %dma_start3A_207, %dma_start3A_208] : memref<3x2x128x128xf32, #tpu.memory_space<vmem>> -> memref<1x1x128x128xf32, #tpu.memory_space<vmem>>
    %dma_start3A_210 = tpu.memref_squeeze %dma_start3A_209 : memref<1x1x128x128xf32, #tpu.memory_space<vmem>> -> memref<128x128xf32, #tpu.memory_space<vmem>>
    %dma_start3A_211 = arith.constant 0 : i32
    %dma_start3A_212 = tpu.memref_slice %arg5[%dma_start3A_203, %dma_start3A_204, %dma_start3A_211] : memref<3x2x128xi32, #tpu.memory_space<vmem>> -> memref<1x1x128xi32, #tpu.memory_space<vmem>>
    %dma_start3A_213 = tpu.memref_squeeze %dma_start3A_212 : memref<1x1x128xi32, #tpu.memory_space<vmem>> -> memref<128xi32, #tpu.memory_space<vmem>>
    %dma_start3A_214 = arith.constant 0 : i32
    %dma_start3A_215 = arith.constant 0 : i32
    %dma_start3A_216 = tpu.memref_slice %arg2[%dma_start3A_214, %dma_start3A_215] : memref<100000x128xf32, #tpu.memory_space<hbm>> -> memref<100000x128xf32, #tpu.memory_space<hbm>>
    tpu.enqueue_indirect_dma source(%dma_start3A_216 : memref<100000x128xf32, #tpu.memory_space<hbm>>) target(%dma_start3A_210 : memref<128x128xf32, #tpu.memory_space<vmem>>) offsets(%dma_start3A_213 : memref<128xi32, #tpu.memory_space<vmem>>) semaphore(%arg12 : memref<!tpu.dma_semaphore, #tpu.memory_space<semaphore_mem>>)
    %dma_start3A_217 = arith.constant 2 : i32
    %dma_start3A_218 = arith.constant 1 : i32
    %dma_start3A_219 = arith.constant 2 : i32
    %dma_start3A_220 = arith.constant 1 : i32
    %dma_start3A_221 = arith.constant 0 : i32
    %dma_start3A_222 = arith.constant 0 : i32
    %dma_start3A_223 = tpu.memref_slice %arg6[%dma_start3A_219, %dma_start3A_220, %dma_start3A_221, %dma_start3A_222] : memref<3x2x128x128xf32, #tpu.memory_space<vmem>> -> memref<1x1x128x128xf32, #tpu.memory_space<vmem>>
    %dma_start3A_224 = tpu.memref_squeeze %dma_start3A_223 : memref<1x1x128x128xf32, #tpu.memory_space<vmem>> -> memref<128x128xf32, #tpu.memory_space<vmem>>
    %dma_start3A_225 = arith.constant 0 : i32
    %dma_start3A_226 = tpu.memref_slice %arg5[%dma_start3A_217, %dma_start3A_218, %dma_start3A_225] : memref<3x2x128xi32, #tpu.memory_space<vmem>> -> memref<1x1x128xi32, #tpu.memory_space<vmem>>
    %dma_start3A_227 = tpu.memref_squeeze %dma_start3A_226 : memref<1x1x128xi32, #tpu.memory_space<vmem>> -> memref<128xi32, #tpu.memory_space<vmem>>
    %dma_start3A_228 = arith.constant 0 : i32
    %dma_start3A_229 = arith.constant 0 : i32
    %dma_start3A_230 = tpu.memref_slice %arg2[%dma_start3A_228, %dma_start3A_229] : memref<100000x128xf32, #tpu.memory_space<hbm>> -> memref<100000x128xf32, #tpu.memory_space<hbm>>
    tpu.enqueue_indirect_dma source(%dma_start3A_230 : memref<100000x128xf32, #tpu.memory_space<hbm>>) target(%dma_start3A_224 : memref<128x128xf32, #tpu.memory_space<vmem>>) offsets(%dma_start3A_227 : memref<128xi32, #tpu.memory_space<vmem>>) semaphore(%arg12 : memref<!tpu.dma_semaphore, #tpu.memory_space<semaphore_mem>>)
    %dma_wait3A_231 = arith.constant 1 : i32
    %dma_wait3A_232 = arith.constant 0 : i32
    %dma_wait3A_233 = arith.constant 1 : i32
    %dma_wait3A_234 = arith.constant 0 : i32
    %dma_wait3A_235 = arith.constant 0 : i32
    %dma_wait3A_236 = arith.constant 0 : i32
    %dma_wait3A_237 = tpu.memref_slice %arg6[%dma_wait3A_233, %dma_wait3A_234, %dma_wait3A_235, %dma_wait3A_236] : memref<3x2x128x128xf32, #tpu.memory_space<vmem>> -> memref<1x1x128x128xf32, #tpu.memory_space<vmem>>
    %dma_wait3A_238 = tpu.memref_squeeze %dma_wait3A_237 : memref<1x1x128x128xf32, #tpu.memory_space<vmem>> -> memref<128x128xf32, #tpu.memory_space<vmem>>
    %dma_wait3A_239 = arith.constant 0 : i32
    %dma_wait3A_240 = tpu.memref_slice %arg5[%dma_wait3A_231, %dma_wait3A_232, %dma_wait3A_239] : memref<3x2x128xi32, #tpu.memory_space<vmem>> -> memref<1x1x128xi32, #tpu.memory_space<vmem>>
    %dma_wait3A_241 = tpu.memref_squeeze %dma_wait3A_240 : memref<1x1x128xi32, #tpu.memory_space<vmem>> -> memref<128xi32, #tpu.memory_space<vmem>>
    %dma_wait3A_242 = arith.constant 0 : i32
    %dma_wait3A_243 = arith.constant 0 : i32
    %dma_wait3A_244 = tpu.memref_slice %arg2[%dma_wait3A_242, %dma_wait3A_243] : memref<100000x128xf32, #tpu.memory_space<hbm>> -> memref<100000x128xf32, #tpu.memory_space<hbm>>
    tpu.wait_indirect_dma semaphore(%arg11 : memref<!tpu.dma_semaphore, #tpu.memory_space<semaphore_mem>>) src(%dma_wait3A_244 : memref<100000x128xf32, #tpu.memory_space<hbm>>) dst(%dma_wait3A_238 : memref<128x128xf32, #tpu.memory_space<vmem>>)
    %dma_wait3A_245 = arith.constant 1 : i32
    %dma_wait3A_246 = arith.constant 1 : i32
    %dma_wait3A_247 = arith.constant 1 : i32
    %dma_wait3A_248 = arith.constant 1 : i32
    %dma_wait3A_249 = arith.constant 0 : i32
    %dma_wait3A_250 = arith.constant 0 : i32
    %dma_wait3A_251 = tpu.memref_slice %arg6[%dma_wait3A_247, %dma_wait3A_248, %dma_wait3A_249, %dma_wait3A_250] : memref<3x2x128x128xf32, #tpu.memory_space<vmem>> -> memref<1x1x128x128xf32, #tpu.memory_space<vmem>>
    %dma_wait3A_252 = tpu.memref_squeeze %dma_wait3A_251 : memref<1x1x128x128xf32, #tpu.memory_space<vmem>> -> memref<128x128xf32, #tpu.memory_space<vmem>>
    %dma_wait3A_253 = arith.constant 0 : i32
    %dma_wait3A_254 = tpu.memref_slice %arg5[%dma_wait3A_245, %dma_wait3A_246, %dma_wait3A_253] : memref<3x2x128xi32, #tpu.memory_space<vmem>> -> memref<1x1x128xi32, #tpu.memory_space<vmem>>
    %dma_wait3A_255 = tpu.memref_squeeze %dma_wait3A_254 : memref<1x1x128xi32, #tpu.memory_space<vmem>> -> memref<128xi32, #tpu.memory_space<vmem>>
    %dma_wait3A_256 = arith.constant 0 : i32
    %dma_wait3A_257 = arith.constant 0 : i32
    %dma_wait3A_258 = tpu.memref_slice %arg2[%dma_wait3A_256, %dma_wait3A_257] : memref<100000x128xf32, #tpu.memory_space<hbm>> -> memref<100000x128xf32, #tpu.memory_space<hbm>>
    tpu.wait_indirect_dma semaphore(%arg11 : memref<!tpu.dma_semaphore, #tpu.memory_space<semaphore_mem>>) src(%dma_wait3A_258 : memref<100000x128xf32, #tpu.memory_space<hbm>>) dst(%dma_wait3A_252 : memref<128x128xf32, #tpu.memory_space<vmem>>)
    %add3A_259 = arith.constant 2 : i32
    %add3A_260 = arith.addi %mul3A_2, %add3A_259 : i32
    %dma_start3A_261 = arith.constant 1 : i32
    %dma_start3A_262 = arith.constant 0 : i32
    %dma_start3A_263 = arith.constant 0 : i32
    %dma_start3A_264 = arith.constant 0 : i32
    %dma_start3A_265 = tpu.memref_slice %arg6[%dma_start3A_261, %dma_start3A_262, %dma_start3A_263, %dma_start3A_264] : memref<3x2x128x128xf32, #tpu.memory_space<vmem>> -> memref<1x2x128x128xf32, #tpu.memory_space<vmem>>
    %dma_start3A_266 = tpu.memref_squeeze %dma_start3A_265 : memref<1x2x128x128xf32, #tpu.memory_space<vmem>> -> memref<2x128x128xf32, #tpu.memory_space<vmem>>
    %dma_start3A_267 = arith.constant 0 : i32
    %dma_start3A_268 = arith.constant 0 : i32
    %dma_start3A_269 = tpu.memref_slice %arg4[%add3A_260, %dma_start3A_267, %dma_start3A_268] : memref<6400x128x128xf32, #tpu.memory_space<hbm>> -> memref<2x128x128xf32, #tpu.memory_space<hbm>>
    %dma_start3A_270 = arith.constant 0 : i32
    %dma_start3A_271 = arith.constant 0 : i32
    %dma_start3A_272 = tpu.memref_slice %arg4[%add3A_260, %dma_start3A_270, %dma_start3A_271] : memref<6400x128x128xf32, #tpu.memory_space<hbm>> -> memref<2x128x128xf32, #tpu.memory_space<hbm>>
    %dma_start3A_273 = arith.constant 0 : i32
    %dma_start3A_274 = arith.constant 0 : i32
    %dma_start3A_275 = arith.constant 0 : i32
    %dma_start3A_276 = tpu.memref_slice %arg6[%dma_start3A_261, %dma_start3A_273, %dma_start3A_274, %dma_start3A_275] : memref<3x2x128x128xf32, #tpu.memory_space<vmem>> -> memref<1x2x128x128xf32, #tpu.memory_space<vmem>>
    %dma_start3A_277 = tpu.memref_squeeze %dma_start3A_276 : memref<1x2x128x128xf32, #tpu.memory_space<vmem>> -> memref<2x128x128xf32, #tpu.memory_space<vmem>>
    tpu.enqueue_dma source(%dma_start3A_277 : memref<2x128x128xf32, #tpu.memory_space<vmem>>) target(%dma_start3A_272 : memref<2x128x128xf32, #tpu.memory_space<hbm>>) target_semaphore(%arg14 : memref<!tpu.dma_semaphore, #tpu.memory_space<semaphore_mem>>)
    %add3A_278 = arith.constant 8 : i32
    %add3A_279 = arith.addi %mul3A_2, %add3A_278 : i32
    %dma_start3A_280 = arith.constant 1 : i32
    %dma_start3A_281 = arith.constant 0 : i32
    %dma_start3A_282 = arith.constant 0 : i32
    %dma_start3A_283 = tpu.memref_slice %arg5[%dma_start3A_280, %dma_start3A_281, %dma_start3A_282] : memref<3x2x128xi32, #tpu.memory_space<vmem>> -> memref<1x2x128xi32, #tpu.memory_space<vmem>>
    %dma_start3A_284 = tpu.memref_squeeze %dma_start3A_283 : memref<1x2x128xi32, #tpu.memory_space<vmem>> -> memref<2x128xi32, #tpu.memory_space<vmem>>
    %dma_start3A_285 = arith.constant 0 : i32
    %dma_start3A_286 = tpu.memref_slice %arg3[%add3A_279, %dma_start3A_285] : memref<6400x128xi32, #tpu.memory_space<hbm>> -> memref<2x128xi32, #tpu.memory_space<hbm>>
    %dma_start3A_287 = arith.constant 0 : i32
    %dma_start3A_288 = arith.constant 0 : i32
    %dma_start3A_289 = tpu.memref_slice %arg5[%dma_start3A_280, %dma_start3A_287, %dma_start3A_288] : memref<3x2x128xi32, #tpu.memory_space<vmem>> -> memref<1x2x128xi32, #tpu.memory_space<vmem>>
    %dma_start3A_290 = tpu.memref_squeeze %dma_start3A_289 : memref<1x2x128xi32, #tpu.memory_space<vmem>> -> memref<2x128xi32, #tpu.memory_space<vmem>>
    %dma_start3A_291 = arith.constant 0 : i32
    %dma_start3A_292 = tpu.memref_slice %arg3[%add3A_279, %dma_start3A_291] : memref<6400x128xi32, #tpu.memory_space<hbm>> -> memref<2x128xi32, #tpu.memory_space<hbm>>
    tpu.enqueue_dma source(%dma_start3A_292 : memref<2x128xi32, #tpu.memory_space<hbm>>) target(%dma_start3A_290 : memref<2x128xi32, #tpu.memory_space<vmem>>) target_semaphore(%arg8 : memref<!tpu.dma_semaphore, #tpu.memory_space<semaphore_mem>>)
    %scan3A = arith.constant 0 : i32
    %scan3A_293 = arith.constant 1 : i32
    %scan3A_294 = arith.constant 32 : i32
    %scan3A_295 = arith.addi %scan3A_293, %scan3A_294 : i32
    %scan3A_296 = arith.constant 1 : i32
    scf.for %scan3A_501 = %scan3A_293 to %scan3A_295 step %scan3A_296  : i32 {
      %mul3A_502 = arith.constant 3 : i32
      %mul3A_503 = arith.muli %scan3A_501, %mul3A_502 : i32
      %add3A_504 = arith.constant 0 : i32
      %add3A_505 = arith.addi %mul3A_503, %add3A_504 : i32
      %dma_wait3A_506 = arith.constant 2 : i32
      %dma_wait3A_507 = arith.constant 0 : i32
      %dma_wait3A_508 = arith.constant 2 : i32
      %dma_wait3A_509 = arith.constant 0 : i32
      %dma_wait3A_510 = arith.constant 0 : i32
      %dma_wait3A_511 = arith.constant 0 : i32
      %dma_wait3A_512 = tpu.memref_slice %arg6[%dma_wait3A_508, %dma_wait3A_509, %dma_wait3A_510, %dma_wait3A_511] : memref<3x2x128x128xf32, #tpu.memory_space<vmem>> -> memref<1x1x128x128xf32, #tpu.memory_space<vmem>>
      %dma_wait3A_513 = tpu.memref_squeeze %dma_wait3A_512 : memref<1x1x128x128xf32, #tpu.memory_space<vmem>> -> memref<128x128xf32, #tpu.memory_space<vmem>>
      %dma_wait3A_514 = arith.constant 0 : i32
      %dma_wait3A_515 = tpu.memref_slice %arg5[%dma_wait3A_506, %dma_wait3A_507, %dma_wait3A_514] : memref<3x2x128xi32, #tpu.memory_space<vmem>> -> memref<1x1x128xi32, #tpu.memory_space<vmem>>
      %dma_wait3A_516 = tpu.memref_squeeze %dma_wait3A_515 : memref<1x1x128xi32, #tpu.memory_space<vmem>> -> memref<128xi32, #tpu.memory_space<vmem>>
      %dma_wait3A_517 = arith.constant 0 : i32
      %dma_wait3A_518 = arith.constant 0 : i32
      %dma_wait3A_519 = tpu.memref_slice %arg2[%dma_wait3A_517, %dma_wait3A_518] : memref<100000x128xf32, #tpu.memory_space<hbm>> -> memref<100000x128xf32, #tpu.memory_space<hbm>>
      tpu.wait_indirect_dma semaphore(%arg12 : memref<!tpu.dma_semaphore, #tpu.memory_space<semaphore_mem>>) src(%dma_wait3A_519 : memref<100000x128xf32, #tpu.memory_space<hbm>>) dst(%dma_wait3A_513 : memref<128x128xf32, #tpu.memory_space<vmem>>)
      %dma_wait3A_520 = arith.constant 2 : i32
      %dma_wait3A_521 = arith.constant 1 : i32
      %dma_wait3A_522 = arith.constant 2 : i32
      %dma_wait3A_523 = arith.constant 1 : i32
      %dma_wait3A_524 = arith.constant 0 : i32
      %dma_wait3A_525 = arith.constant 0 : i32
      %dma_wait3A_526 = tpu.memref_slice %arg6[%dma_wait3A_522, %dma_wait3A_523, %dma_wait3A_524, %dma_wait3A_525] : memref<3x2x128x128xf32, #tpu.memory_space<vmem>> -> memref<1x1x128x128xf32, #tpu.memory_space<vmem>>
      %dma_wait3A_527 = tpu.memref_squeeze %dma_wait3A_526 : memref<1x1x128x128xf32, #tpu.memory_space<vmem>> -> memref<128x128xf32, #tpu.memory_space<vmem>>
      %dma_wait3A_528 = arith.constant 0 : i32
      %dma_wait3A_529 = tpu.memref_slice %arg5[%dma_wait3A_520, %dma_wait3A_521, %dma_wait3A_528] : memref<3x2x128xi32, #tpu.memory_space<vmem>> -> memref<1x1x128xi32, #tpu.memory_space<vmem>>
      %dma_wait3A_530 = tpu.memref_squeeze %dma_wait3A_529 : memref<1x1x128xi32, #tpu.memory_space<vmem>> -> memref<128xi32, #tpu.memory_space<vmem>>
      %dma_wait3A_531 = arith.constant 0 : i32
      %dma_wait3A_532 = arith.constant 0 : i32
      %dma_wait3A_533 = tpu.memref_slice %arg2[%dma_wait3A_531, %dma_wait3A_532] : memref<100000x128xf32, #tpu.memory_space<hbm>> -> memref<100000x128xf32, #tpu.memory_space<hbm>>
      tpu.wait_indirect_dma semaphore(%arg12 : memref<!tpu.dma_semaphore, #tpu.memory_space<semaphore_mem>>) src(%dma_wait3A_533 : memref<100000x128xf32, #tpu.memory_space<hbm>>) dst(%dma_wait3A_527 : memref<128x128xf32, #tpu.memory_space<vmem>>)
      %sub3A = arith.constant 1 : i32
      %sub3A_534 = arith.subi %add3A_505, %sub3A : i32
      %mul3A_535 = arith.constant 2 : i32
      %mul3A_536 = arith.muli %sub3A_534, %mul3A_535 : i32
      %add3A_537 = arith.addi %mul3A_2, %mul3A_536 : i32
      %dma_start3A_538 = arith.constant 2 : i32
      %dma_start3A_539 = arith.constant 0 : i32
      %dma_start3A_540 = arith.constant 0 : i32
      %dma_start3A_541 = arith.constant 0 : i32
      %dma_start3A_542 = tpu.memref_slice %arg6[%dma_start3A_538, %dma_start3A_539, %dma_start3A_540, %dma_start3A_541] : memref<3x2x128x128xf32, #tpu.memory_space<vmem>> -> memref<1x2x128x128xf32, #tpu.memory_space<vmem>>
      %dma_start3A_543 = tpu.memref_squeeze %dma_start3A_542 : memref<1x2x128x128xf32, #tpu.memory_space<vmem>> -> memref<2x128x128xf32, #tpu.memory_space<vmem>>
      %dma_start3A_544 = arith.constant 0 : i32
      %dma_start3A_545 = arith.constant 0 : i32
      %dma_start3A_546 = tpu.memref_slice %arg4[%add3A_537, %dma_start3A_544, %dma_start3A_545] : memref<6400x128x128xf32, #tpu.memory_space<hbm>> -> memref<2x128x128xf32, #tpu.memory_space<hbm>>
      %dma_start3A_547 = arith.constant 0 : i32
      %dma_start3A_548 = arith.constant 0 : i32
      %dma_start3A_549 = tpu.memref_slice %arg4[%add3A_537, %dma_start3A_547, %dma_start3A_548] : memref<6400x128x128xf32, #tpu.memory_space<hbm>> -> memref<2x128x128xf32, #tpu.memory_space<hbm>>
      %dma_start3A_550 = arith.constant 0 : i32
      %dma_start3A_551 = arith.constant 0 : i32
      %dma_start3A_552 = arith.constant 0 : i32
      %dma_start3A_553 = tpu.memref_slice %arg6[%dma_start3A_538, %dma_start3A_550, %dma_start3A_551, %dma_start3A_552] : memref<3x2x128x128xf32, #tpu.memory_space<vmem>> -> memref<1x2x128x128xf32, #tpu.memory_space<vmem>>
      %dma_start3A_554 = tpu.memref_squeeze %dma_start3A_553 : memref<1x2x128x128xf32, #tpu.memory_space<vmem>> -> memref<2x128x128xf32, #tpu.memory_space<vmem>>
      tpu.enqueue_dma source(%dma_start3A_554 : memref<2x128x128xf32, #tpu.memory_space<vmem>>) target(%dma_start3A_549 : memref<2x128x128xf32, #tpu.memory_space<hbm>>) target_semaphore(%arg15 : memref<!tpu.dma_semaphore, #tpu.memory_space<semaphore_mem>>)
      %add3A_555 = arith.constant 2 : i32
      %add3A_556 = arith.addi %add3A_505, %add3A_555 : i32
      %lt3A = arith.constant 100 : i32
      %lt3A_557 = arith.cmpi slt, %add3A_556, %lt3A : i32
      %convert_element_type3A = arith.extui %lt3A_557 : i1 to i32
      %cond3A = arith.constant 0 : i32
      %cond3A_558 = arith.cmpi ne, %convert_element_type3A, %cond3A : i32
      scf.if %cond3A_558 {
        %add3A_855 = arith.constant 2 : i32
        %add3A_856 = arith.addi %add3A_505, %add3A_855 : i32
        %mul3A_857 = arith.constant 2 : i32
        %mul3A_858 = arith.muli %add3A_856, %mul3A_857 : i32
        %add3A_859 = arith.addi %mul3A_2, %mul3A_858 : i32
        %dma_start3A_860 = arith.constant 2 : i32
        %dma_start3A_861 = arith.constant 0 : i32
        %dma_start3A_862 = arith.constant 0 : i32
        %dma_start3A_863 = tpu.memref_slice %arg5[%dma_start3A_860, %dma_start3A_861, %dma_start3A_862] : memref<3x2x128xi32, #tpu.memory_space<vmem>> -> memref<1x2x128xi32, #tpu.memory_space<vmem>>
        %dma_start3A_864 = tpu.memref_squeeze %dma_start3A_863 : memref<1x2x128xi32, #tpu.memory_space<vmem>> -> memref<2x128xi32, #tpu.memory_space<vmem>>
        %dma_start3A_865 = arith.constant 0 : i32
        %dma_start3A_866 = tpu.memref_slice %arg3[%add3A_859, %dma_start3A_865] : memref<6400x128xi32, #tpu.memory_space<hbm>> -> memref<2x128xi32, #tpu.memory_space<hbm>>
        %dma_start3A_867 = arith.constant 0 : i32
        %dma_start3A_868 = arith.constant 0 : i32
        %dma_start3A_869 = tpu.memref_slice %arg5[%dma_start3A_860, %dma_start3A_867, %dma_start3A_868] : memref<3x2x128xi32, #tpu.memory_space<vmem>> -> memref<1x2x128xi32, #tpu.memory_space<vmem>>
        %dma_start3A_870 = tpu.memref_squeeze %dma_start3A_869 : memref<1x2x128xi32, #tpu.memory_space<vmem>> -> memref<2x128xi32, #tpu.memory_space<vmem>>
        %dma_start3A_871 = arith.constant 0 : i32
        %dma_start3A_872 = tpu.memref_slice %arg3[%add3A_859, %dma_start3A_871] : memref<6400x128xi32, #tpu.memory_space<hbm>> -> memref<2x128xi32, #tpu.memory_space<hbm>>
        tpu.enqueue_dma source(%dma_start3A_872 : memref<2x128xi32, #tpu.memory_space<hbm>>) target(%dma_start3A_870 : memref<2x128xi32, #tpu.memory_space<vmem>>) target_semaphore(%arg9 : memref<!tpu.dma_semaphore, #tpu.memory_space<semaphore_mem>>)
      } else {
      }
      %dma_wait3A_559 = arith.constant 0 : i32
      %dma_wait3A_560 = arith.constant 0 : i32
      %dma_wait3A_561 = arith.constant 0 : i32
      %dma_wait3A_562 = arith.constant 0 : i32
      %dma_wait3A_563 = tpu.memref_slice %arg6[%dma_wait3A_559, %dma_wait3A_560, %dma_wait3A_561, %dma_wait3A_562] : memref<3x2x128x128xf32, #tpu.memory_space<vmem>> -> memref<1x2x128x128xf32, #tpu.memory_space<vmem>>
      %dma_wait3A_564 = tpu.memref_squeeze %dma_wait3A_563 : memref<1x2x128x128xf32, #tpu.memory_space<vmem>> -> memref<2x128x128xf32, #tpu.memory_space<vmem>>
      %dma_wait3A_565 = arith.constant 0 : i32
      %dma_wait3A_566 = arith.constant 0 : i32
      %dma_wait3A_567 = tpu.memref_slice %arg4[%mul3A_2, %dma_wait3A_565, %dma_wait3A_566] : memref<6400x128x128xf32, #tpu.memory_space<hbm>> -> memref<2x128x128xf32, #tpu.memory_space<hbm>>
      %dma_wait3A_568 = arith.constant 0 : i32
      %dma_wait3A_569 = arith.constant 0 : i32
      %dma_wait3A_570 = tpu.memref_slice %arg4[%mul3A_2, %dma_wait3A_568, %dma_wait3A_569] : memref<6400x128x128xf32, #tpu.memory_space<hbm>> -> memref<2x128x128xf32, #tpu.memory_space<hbm>>
      %dma_wait3A_571 = arith.constant 0 : i32
      %dma_wait3A_572 = arith.constant 0 : i32
      %dma_wait3A_573 = arith.constant 0 : i32
      %dma_wait3A_574 = tpu.memref_slice %arg6[%dma_wait3A_559, %dma_wait3A_571, %dma_wait3A_572, %dma_wait3A_573] : memref<3x2x128x128xf32, #tpu.memory_space<vmem>> -> memref<1x2x128x128xf32, #tpu.memory_space<vmem>>
      %dma_wait3A_575 = tpu.memref_squeeze %dma_wait3A_574 : memref<1x2x128x128xf32, #tpu.memory_space<vmem>> -> memref<2x128x128xf32, #tpu.memory_space<vmem>>
      tpu.wait_dma2 semaphore(%arg13 : memref<!tpu.dma_semaphore, #tpu.memory_space<semaphore_mem>>) src(%dma_wait3A_575 : memref<2x128x128xf32, #tpu.memory_space<vmem>>) dst(%dma_wait3A_570 : memref<2x128x128xf32, #tpu.memory_space<hbm>>)
      %dma_wait3A_576 = arith.constant 0 : i32
      %dma_wait3A_577 = arith.constant 0 : i32
      %dma_wait3A_578 = arith.constant 0 : i32
      %dma_wait3A_579 = tpu.memref_slice %arg5[%dma_wait3A_576, %dma_wait3A_577, %dma_wait3A_578] : memref<3x2x128xi32, #tpu.memory_space<vmem>> -> memref<1x2x128xi32, #tpu.memory_space<vmem>>
      %dma_wait3A_580 = tpu.memref_squeeze %dma_wait3A_579 : memref<1x2x128xi32, #tpu.memory_space<vmem>> -> memref<2x128xi32, #tpu.memory_space<vmem>>
      %dma_wait3A_581 = arith.constant 0 : i32
      %dma_wait3A_582 = tpu.memref_slice %arg3[%mul3A_2, %dma_wait3A_581] : memref<6400x128xi32, #tpu.memory_space<hbm>> -> memref<2x128xi32, #tpu.memory_space<hbm>>
      %dma_wait3A_583 = arith.constant 0 : i32
      %dma_wait3A_584 = arith.constant 0 : i32
      %dma_wait3A_585 = tpu.memref_slice %arg5[%dma_wait3A_576, %dma_wait3A_583, %dma_wait3A_584] : memref<3x2x128xi32, #tpu.memory_space<vmem>> -> memref<1x2x128xi32, #tpu.memory_space<vmem>>
      %dma_wait3A_586 = tpu.memref_squeeze %dma_wait3A_585 : memref<1x2x128xi32, #tpu.memory_space<vmem>> -> memref<2x128xi32, #tpu.memory_space<vmem>>
      %dma_wait3A_587 = arith.constant 0 : i32
      %dma_wait3A_588 = tpu.memref_slice %arg3[%mul3A_2, %dma_wait3A_587] : memref<6400x128xi32, #tpu.memory_space<hbm>> -> memref<2x128xi32, #tpu.memory_space<hbm>>
      tpu.wait_dma2 semaphore(%arg7 : memref<!tpu.dma_semaphore, #tpu.memory_space<semaphore_mem>>) src(%dma_wait3A_588 : memref<2x128xi32, #tpu.memory_space<hbm>>) dst(%dma_wait3A_586 : memref<2x128xi32, #tpu.memory_space<vmem>>)
      %dma_start3A_589 = arith.constant 0 : i32
      %dma_start3A_590 = arith.constant 0 : i32
      %dma_start3A_591 = arith.constant 0 : i32
      %dma_start3A_592 = arith.constant 0 : i32
      %dma_start3A_593 = arith.constant 0 : i32
      %dma_start3A_594 = arith.constant 0 : i32
      %dma_start3A_595 = tpu.memref_slice %arg6[%dma_start3A_591, %dma_start3A_592, %dma_start3A_593, %dma_start3A_594] : memref<3x2x128x128xf32, #tpu.memory_space<vmem>> -> memref<1x1x128x128xf32, #tpu.memory_space<vmem>>
      %dma_start3A_596 = tpu.memref_squeeze %dma_start3A_595 : memref<1x1x128x128xf32, #tpu.memory_space<vmem>> -> memref<128x128xf32, #tpu.memory_space<vmem>>
      %dma_start3A_597 = arith.constant 0 : i32
      %dma_start3A_598 = tpu.memref_slice %arg5[%dma_start3A_589, %dma_start3A_590, %dma_start3A_597] : memref<3x2x128xi32, #tpu.memory_space<vmem>> -> memref<1x1x128xi32, #tpu.memory_space<vmem>>
      %dma_start3A_599 = tpu.memref_squeeze %dma_start3A_598 : memref<1x1x128xi32, #tpu.memory_space<vmem>> -> memref<128xi32, #tpu.memory_space<vmem>>
      %dma_start3A_600 = arith.constant 0 : i32
      %dma_start3A_601 = arith.constant 0 : i32
      %dma_start3A_602 = tpu.memref_slice %arg2[%dma_start3A_600, %dma_start3A_601] : memref<100000x128xf32, #tpu.memory_space<hbm>> -> memref<100000x128xf32, #tpu.memory_space<hbm>>
      tpu.enqueue_indirect_dma source(%dma_start3A_602 : memref<100000x128xf32, #tpu.memory_space<hbm>>) target(%dma_start3A_596 : memref<128x128xf32, #tpu.memory_space<vmem>>) offsets(%dma_start3A_599 : memref<128xi32, #tpu.memory_space<vmem>>) semaphore(%arg10 : memref<!tpu.dma_semaphore, #tpu.memory_space<semaphore_mem>>)
      %dma_start3A_603 = arith.constant 0 : i32
      %dma_start3A_604 = arith.constant 1 : i32
      %dma_start3A_605 = arith.constant 0 : i32
      %dma_start3A_606 = arith.constant 1 : i32
      %dma_start3A_607 = arith.constant 0 : i32
      %dma_start3A_608 = arith.constant 0 : i32
      %dma_start3A_609 = tpu.memref_slice %arg6[%dma_start3A_605, %dma_start3A_606, %dma_start3A_607, %dma_start3A_608] : memref<3x2x128x128xf32, #tpu.memory_space<vmem>> -> memref<1x1x128x128xf32, #tpu.memory_space<vmem>>
      %dma_start3A_610 = tpu.memref_squeeze %dma_start3A_609 : memref<1x1x128x128xf32, #tpu.memory_space<vmem>> -> memref<128x128xf32, #tpu.memory_space<vmem>>
      %dma_start3A_611 = arith.constant 0 : i32
      %dma_start3A_612 = tpu.memref_slice %arg5[%dma_start3A_603, %dma_start3A_604, %dma_start3A_611] : memref<3x2x128xi32, #tpu.memory_space<vmem>> -> memref<1x1x128xi32, #tpu.memory_space<vmem>>
      %dma_start3A_613 = tpu.memref_squeeze %dma_start3A_612 : memref<1x1x128xi32, #tpu.memory_space<vmem>> -> memref<128xi32, #tpu.memory_space<vmem>>
      %dma_start3A_614 = arith.constant 0 : i32
      %dma_start3A_615 = arith.constant 0 : i32
      %dma_start3A_616 = tpu.memref_slice %arg2[%dma_start3A_614, %dma_start3A_615] : memref<100000x128xf32, #tpu.memory_space<hbm>> -> memref<100000x128xf32, #tpu.memory_space<hbm>>
      tpu.enqueue_indirect_dma source(%dma_start3A_616 : memref<100000x128xf32, #tpu.memory_space<hbm>>) target(%dma_start3A_610 : memref<128x128xf32, #tpu.memory_space<vmem>>) offsets(%dma_start3A_613 : memref<128xi32, #tpu.memory_space<vmem>>) semaphore(%arg10 : memref<!tpu.dma_semaphore, #tpu.memory_space<semaphore_mem>>)
      %mul3A_617 = arith.constant 3 : i32
      %mul3A_618 = arith.muli %scan3A_501, %mul3A_617 : i32
      %add3A_619 = arith.constant 1 : i32
      %add3A_620 = arith.addi %mul3A_618, %add3A_619 : i32
      %dma_wait3A_621 = arith.constant 0 : i32
      %dma_wait3A_622 = arith.constant 0 : i32
      %dma_wait3A_623 = arith.constant 0 : i32
      %dma_wait3A_624 = arith.constant 0 : i32
      %dma_wait3A_625 = arith.constant 0 : i32
      %dma_wait3A_626 = arith.constant 0 : i32
      %dma_wait3A_627 = tpu.memref_slice %arg6[%dma_wait3A_623, %dma_wait3A_624, %dma_wait3A_625, %dma_wait3A_626] : memref<3x2x128x128xf32, #tpu.memory_space<vmem>> -> memref<1x1x128x128xf32, #tpu.memory_space<vmem>>
      %dma_wait3A_628 = tpu.memref_squeeze %dma_wait3A_627 : memref<1x1x128x128xf32, #tpu.memory_space<vmem>> -> memref<128x128xf32, #tpu.memory_space<vmem>>
      %dma_wait3A_629 = arith.constant 0 : i32
      %dma_wait3A_630 = tpu.memref_slice %arg5[%dma_wait3A_621, %dma_wait3A_622, %dma_wait3A_629] : memref<3x2x128xi32, #tpu.memory_space<vmem>> -> memref<1x1x128xi32, #tpu.memory_space<vmem>>
      %dma_wait3A_631 = tpu.memref_squeeze %dma_wait3A_630 : memref<1x1x128xi32, #tpu.memory_space<vmem>> -> memref<128xi32, #tpu.memory_space<vmem>>
      %dma_wait3A_632 = arith.constant 0 : i32
      %dma_wait3A_633 = arith.constant 0 : i32
      %dma_wait3A_634 = tpu.memref_slice %arg2[%dma_wait3A_632, %dma_wait3A_633] : memref<100000x128xf32, #tpu.memory_space<hbm>> -> memref<100000x128xf32, #tpu.memory_space<hbm>>
      tpu.wait_indirect_dma semaphore(%arg10 : memref<!tpu.dma_semaphore, #tpu.memory_space<semaphore_mem>>) src(%dma_wait3A_634 : memref<100000x128xf32, #tpu.memory_space<hbm>>) dst(%dma_wait3A_628 : memref<128x128xf32, #tpu.memory_space<vmem>>)
      %dma_wait3A_635 = arith.constant 0 : i32
      %dma_wait3A_636 = arith.constant 1 : i32
      %dma_wait3A_637 = arith.constant 0 : i32
      %dma_wait3A_638 = arith.constant 1 : i32
      %dma_wait3A_639 = arith.constant 0 : i32
      %dma_wait3A_640 = arith.constant 0 : i32
      %dma_wait3A_641 = tpu.memref_slice %arg6[%dma_wait3A_637, %dma_wait3A_638, %dma_wait3A_639, %dma_wait3A_640] : memref<3x2x128x128xf32, #tpu.memory_space<vmem>> -> memref<1x1x128x128xf32, #tpu.memory_space<vmem>>
      %dma_wait3A_642 = tpu.memref_squeeze %dma_wait3A_641 : memref<1x1x128x128xf32, #tpu.memory_space<vmem>> -> memref<128x128xf32, #tpu.memory_space<vmem>>
      %dma_wait3A_643 = arith.constant 0 : i32
      %dma_wait3A_644 = tpu.memref_slice %arg5[%dma_wait3A_635, %dma_wait3A_636, %dma_wait3A_643] : memref<3x2x128xi32, #tpu.memory_space<vmem>> -> memref<1x1x128xi32, #tpu.memory_space<vmem>>
      %dma_wait3A_645 = tpu.memref_squeeze %dma_wait3A_644 : memref<1x1x128xi32, #tpu.memory_space<vmem>> -> memref<128xi32, #tpu.memory_space<vmem>>
      %dma_wait3A_646 = arith.constant 0 : i32
      %dma_wait3A_647 = arith.constant 0 : i32
      %dma_wait3A_648 = tpu.memref_slice %arg2[%dma_wait3A_646, %dma_wait3A_647] : memref<100000x128xf32, #tpu.memory_space<hbm>> -> memref<100000x128xf32, #tpu.memory_space<hbm>>
      tpu.wait_indirect_dma semaphore(%arg10 : memref<!tpu.dma_semaphore, #tpu.memory_space<semaphore_mem>>) src(%dma_wait3A_648 : memref<100000x128xf32, #tpu.memory_space<hbm>>) dst(%dma_wait3A_642 : memref<128x128xf32, #tpu.memory_space<vmem>>)
      %sub3A_649 = arith.constant 1 : i32
      %sub3A_650 = arith.subi %add3A_620, %sub3A_649 : i32
      %mul3A_651 = arith.constant 2 : i32
      %mul3A_652 = arith.muli %sub3A_650, %mul3A_651 : i32
      %add3A_653 = arith.addi %mul3A_2, %mul3A_652 : i32
      %dma_start3A_654 = arith.constant 0 : i32
      %dma_start3A_655 = arith.constant 0 : i32
      %dma_start3A_656 = arith.constant 0 : i32
      %dma_start3A_657 = arith.constant 0 : i32
      %dma_start3A_658 = tpu.memref_slice %arg6[%dma_start3A_654, %dma_start3A_655, %dma_start3A_656, %dma_start3A_657] : memref<3x2x128x128xf32, #tpu.memory_space<vmem>> -> memref<1x2x128x128xf32, #tpu.memory_space<vmem>>
      %dma_start3A_659 = tpu.memref_squeeze %dma_start3A_658 : memref<1x2x128x128xf32, #tpu.memory_space<vmem>> -> memref<2x128x128xf32, #tpu.memory_space<vmem>>
      %dma_start3A_660 = arith.constant 0 : i32
      %dma_start3A_661 = arith.constant 0 : i32
      %dma_start3A_662 = tpu.memref_slice %arg4[%add3A_653, %dma_start3A_660, %dma_start3A_661] : memref<6400x128x128xf32, #tpu.memory_space<hbm>> -> memref<2x128x128xf32, #tpu.memory_space<hbm>>
      %dma_start3A_663 = arith.constant 0 : i32
      %dma_start3A_664 = arith.constant 0 : i32
      %dma_start3A_665 = tpu.memref_slice %arg4[%add3A_653, %dma_start3A_663, %dma_start3A_664] : memref<6400x128x128xf32, #tpu.memory_space<hbm>> -> memref<2x128x128xf32, #tpu.memory_space<hbm>>
      %dma_start3A_666 = arith.constant 0 : i32
      %dma_start3A_667 = arith.constant 0 : i32
      %dma_start3A_668 = arith.constant 0 : i32
      %dma_start3A_669 = tpu.memref_slice %arg6[%dma_start3A_654, %dma_start3A_666, %dma_start3A_667, %dma_start3A_668] : memref<3x2x128x128xf32, #tpu.memory_space<vmem>> -> memref<1x2x128x128xf32, #tpu.memory_space<vmem>>
      %dma_start3A_670 = tpu.memref_squeeze %dma_start3A_669 : memref<1x2x128x128xf32, #tpu.memory_space<vmem>> -> memref<2x128x128xf32, #tpu.memory_space<vmem>>
      tpu.enqueue_dma source(%dma_start3A_670 : memref<2x128x128xf32, #tpu.memory_space<vmem>>) target(%dma_start3A_665 : memref<2x128x128xf32, #tpu.memory_space<hbm>>) target_semaphore(%arg13 : memref<!tpu.dma_semaphore, #tpu.memory_space<semaphore_mem>>)
      %add3A_671 = arith.constant 2 : i32
      %add3A_672 = arith.addi %add3A_620, %add3A_671 : i32
      %lt3A_673 = arith.constant 100 : i32
      %lt3A_674 = arith.cmpi slt, %add3A_672, %lt3A_673 : i32
      %convert_element_type3A_675 = arith.extui %lt3A_674 : i1 to i32
      %cond3A_676 = arith.constant 0 : i32
      %cond3A_677 = arith.cmpi ne, %convert_element_type3A_675, %cond3A_676 : i32
      scf.if %cond3A_677 {
        %add3A_855 = arith.constant 2 : i32
        %add3A_856 = arith.addi %add3A_620, %add3A_855 : i32
        %mul3A_857 = arith.constant 2 : i32
        %mul3A_858 = arith.muli %add3A_856, %mul3A_857 : i32
        %add3A_859 = arith.addi %mul3A_2, %mul3A_858 : i32
        %dma_start3A_860 = arith.constant 0 : i32
        %dma_start3A_861 = arith.constant 0 : i32
        %dma_start3A_862 = arith.constant 0 : i32
        %dma_start3A_863 = tpu.memref_slice %arg5[%dma_start3A_860, %dma_start3A_861, %dma_start3A_862] : memref<3x2x128xi32, #tpu.memory_space<vmem>> -> memref<1x2x128xi32, #tpu.memory_space<vmem>>
        %dma_start3A_864 = tpu.memref_squeeze %dma_start3A_863 : memref<1x2x128xi32, #tpu.memory_space<vmem>> -> memref<2x128xi32, #tpu.memory_space<vmem>>
        %dma_start3A_865 = arith.constant 0 : i32
        %dma_start3A_866 = tpu.memref_slice %arg3[%add3A_859, %dma_start3A_865] : memref<6400x128xi32, #tpu.memory_space<hbm>> -> memref<2x128xi32, #tpu.memory_space<hbm>>
        %dma_start3A_867 = arith.constant 0 : i32
        %dma_start3A_868 = arith.constant 0 : i32
        %dma_start3A_869 = tpu.memref_slice %arg5[%dma_start3A_860, %dma_start3A_867, %dma_start3A_868] : memref<3x2x128xi32, #tpu.memory_space<vmem>> -> memref<1x2x128xi32, #tpu.memory_space<vmem>>
        %dma_start3A_870 = tpu.memref_squeeze %dma_start3A_869 : memref<1x2x128xi32, #tpu.memory_space<vmem>> -> memref<2x128xi32, #tpu.memory_space<vmem>>
        %dma_start3A_871 = arith.constant 0 : i32
        %dma_start3A_872 = tpu.memref_slice %arg3[%add3A_859, %dma_start3A_871] : memref<6400x128xi32, #tpu.memory_space<hbm>> -> memref<2x128xi32, #tpu.memory_space<hbm>>
        tpu.enqueue_dma source(%dma_start3A_872 : memref<2x128xi32, #tpu.memory_space<hbm>>) target(%dma_start3A_870 : memref<2x128xi32, #tpu.memory_space<vmem>>) target_semaphore(%arg7 : memref<!tpu.dma_semaphore, #tpu.memory_space<semaphore_mem>>)
      } else {
      }
      %dma_wait3A_678 = arith.constant 1 : i32
      %dma_wait3A_679 = arith.constant 0 : i32
      %dma_wait3A_680 = arith.constant 0 : i32
      %dma_wait3A_681 = arith.constant 0 : i32
      %dma_wait3A_682 = tpu.memref_slice %arg6[%dma_wait3A_678, %dma_wait3A_679, %dma_wait3A_680, %dma_wait3A_681] : memref<3x2x128x128xf32, #tpu.memory_space<vmem>> -> memref<1x2x128x128xf32, #tpu.memory_space<vmem>>
      %dma_wait3A_683 = tpu.memref_squeeze %dma_wait3A_682 : memref<1x2x128x128xf32, #tpu.memory_space<vmem>> -> memref<2x128x128xf32, #tpu.memory_space<vmem>>
      %dma_wait3A_684 = arith.constant 0 : i32
      %dma_wait3A_685 = arith.constant 0 : i32
      %dma_wait3A_686 = tpu.memref_slice %arg4[%mul3A_2, %dma_wait3A_684, %dma_wait3A_685] : memref<6400x128x128xf32, #tpu.memory_space<hbm>> -> memref<2x128x128xf32, #tpu.memory_space<hbm>>
      %dma_wait3A_687 = arith.constant 0 : i32
      %dma_wait3A_688 = arith.constant 0 : i32
      %dma_wait3A_689 = tpu.memref_slice %arg4[%mul3A_2, %dma_wait3A_687, %dma_wait3A_688] : memref<6400x128x128xf32, #tpu.memory_space<hbm>> -> memref<2x128x128xf32, #tpu.memory_space<hbm>>
      %dma_wait3A_690 = arith.constant 0 : i32
      %dma_wait3A_691 = arith.constant 0 : i32
      %dma_wait3A_692 = arith.constant 0 : i32
      %dma_wait3A_693 = tpu.memref_slice %arg6[%dma_wait3A_678, %dma_wait3A_690, %dma_wait3A_691, %dma_wait3A_692] : memref<3x2x128x128xf32, #tpu.memory_space<vmem>> -> memref<1x2x128x128xf32, #tpu.memory_space<vmem>>
      %dma_wait3A_694 = tpu.memref_squeeze %dma_wait3A_693 : memref<1x2x128x128xf32, #tpu.memory_space<vmem>> -> memref<2x128x128xf32, #tpu.memory_space<vmem>>
      tpu.wait_dma2 semaphore(%arg14 : memref<!tpu.dma_semaphore, #tpu.memory_space<semaphore_mem>>) src(%dma_wait3A_694 : memref<2x128x128xf32, #tpu.memory_space<vmem>>) dst(%dma_wait3A_689 : memref<2x128x128xf32, #tpu.memory_space<hbm>>)
      %dma_wait3A_695 = arith.constant 1 : i32
      %dma_wait3A_696 = arith.constant 0 : i32
      %dma_wait3A_697 = arith.constant 0 : i32
      %dma_wait3A_698 = tpu.memref_slice %arg5[%dma_wait3A_695, %dma_wait3A_696, %dma_wait3A_697] : memref<3x2x128xi32, #tpu.memory_space<vmem>> -> memref<1x2x128xi32, #tpu.memory_space<vmem>>
      %dma_wait3A_699 = tpu.memref_squeeze %dma_wait3A_698 : memref<1x2x128xi32, #tpu.memory_space<vmem>> -> memref<2x128xi32, #tpu.memory_space<vmem>>
      %dma_wait3A_700 = arith.constant 0 : i32
      %dma_wait3A_701 = tpu.memref_slice %arg3[%mul3A_2, %dma_wait3A_700] : memref<6400x128xi32, #tpu.memory_space<hbm>> -> memref<2x128xi32, #tpu.memory_space<hbm>>
      %dma_wait3A_702 = arith.constant 0 : i32
      %dma_wait3A_703 = arith.constant 0 : i32
      %dma_wait3A_704 = tpu.memref_slice %arg5[%dma_wait3A_695, %dma_wait3A_702, %dma_wait3A_703] : memref<3x2x128xi32, #tpu.memory_space<vmem>> -> memref<1x2x128xi32, #tpu.memory_space<vmem>>
      %dma_wait3A_705 = tpu.memref_squeeze %dma_wait3A_704 : memref<1x2x128xi32, #tpu.memory_space<vmem>> -> memref<2x128xi32, #tpu.memory_space<vmem>>
      %dma_wait3A_706 = arith.constant 0 : i32
      %dma_wait3A_707 = tpu.memref_slice %arg3[%mul3A_2, %dma_wait3A_706] : memref<6400x128xi32, #tpu.memory_space<hbm>> -> memref<2x128xi32, #tpu.memory_space<hbm>>
      tpu.wait_dma2 semaphore(%arg8 : memref<!tpu.dma_semaphore, #tpu.memory_space<semaphore_mem>>) src(%dma_wait3A_707 : memref<2x128xi32, #tpu.memory_space<hbm>>) dst(%dma_wait3A_705 : memref<2x128xi32, #tpu.memory_space<vmem>>)
      %dma_start3A_708 = arith.constant 1 : i32
      %dma_start3A_709 = arith.constant 0 : i32
      %dma_start3A_710 = arith.constant 1 : i32
      %dma_start3A_711 = arith.constant 0 : i32
      %dma_start3A_712 = arith.constant 0 : i32
      %dma_start3A_713 = arith.constant 0 : i32
      %dma_start3A_714 = tpu.memref_slice %arg6[%dma_start3A_710, %dma_start3A_711, %dma_start3A_712, %dma_start3A_713] : memref<3x2x128x128xf32, #tpu.memory_space<vmem>> -> memref<1x1x128x128xf32, #tpu.memory_space<vmem>>
      %dma_start3A_715 = tpu.memref_squeeze %dma_start3A_714 : memref<1x1x128x128xf32, #tpu.memory_space<vmem>> -> memref<128x128xf32, #tpu.memory_space<vmem>>
      %dma_start3A_716 = arith.constant 0 : i32
      %dma_start3A_717 = tpu.memref_slice %arg5[%dma_start3A_708, %dma_start3A_709, %dma_start3A_716] : memref<3x2x128xi32, #tpu.memory_space<vmem>> -> memref<1x1x128xi32, #tpu.memory_space<vmem>>
      %dma_start3A_718 = tpu.memref_squeeze %dma_start3A_717 : memref<1x1x128xi32, #tpu.memory_space<vmem>> -> memref<128xi32, #tpu.memory_space<vmem>>
      %dma_start3A_719 = arith.constant 0 : i32
      %dma_start3A_720 = arith.constant 0 : i32
      %dma_start3A_721 = tpu.memref_slice %arg2[%dma_start3A_719, %dma_start3A_720] : memref<100000x128xf32, #tpu.memory_space<hbm>> -> memref<100000x128xf32, #tpu.memory_space<hbm>>
      tpu.enqueue_indirect_dma source(%dma_start3A_721 : memref<100000x128xf32, #tpu.memory_space<hbm>>) target(%dma_start3A_715 : memref<128x128xf32, #tpu.memory_space<vmem>>) offsets(%dma_start3A_718 : memref<128xi32, #tpu.memory_space<vmem>>) semaphore(%arg11 : memref<!tpu.dma_semaphore, #tpu.memory_space<semaphore_mem>>)
      %dma_start3A_722 = arith.constant 1 : i32
      %dma_start3A_723 = arith.constant 1 : i32
      %dma_start3A_724 = arith.constant 1 : i32
      %dma_start3A_725 = arith.constant 1 : i32
      %dma_start3A_726 = arith.constant 0 : i32
      %dma_start3A_727 = arith.constant 0 : i32
      %dma_start3A_728 = tpu.memref_slice %arg6[%dma_start3A_724, %dma_start3A_725, %dma_start3A_726, %dma_start3A_727] : memref<3x2x128x128xf32, #tpu.memory_space<vmem>> -> memref<1x1x128x128xf32, #tpu.memory_space<vmem>>
      %dma_start3A_729 = tpu.memref_squeeze %dma_start3A_728 : memref<1x1x128x128xf32, #tpu.memory_space<vmem>> -> memref<128x128xf32, #tpu.memory_space<vmem>>
      %dma_start3A_730 = arith.constant 0 : i32
      %dma_start3A_731 = tpu.memref_slice %arg5[%dma_start3A_722, %dma_start3A_723, %dma_start3A_730] : memref<3x2x128xi32, #tpu.memory_space<vmem>> -> memref<1x1x128xi32, #tpu.memory_space<vmem>>
      %dma_start3A_732 = tpu.memref_squeeze %dma_start3A_731 : memref<1x1x128xi32, #tpu.memory_space<vmem>> -> memref<128xi32, #tpu.memory_space<vmem>>
      %dma_start3A_733 = arith.constant 0 : i32
      %dma_start3A_734 = arith.constant 0 : i32
      %dma_start3A_735 = tpu.memref_slice %arg2[%dma_start3A_733, %dma_start3A_734] : memref<100000x128xf32, #tpu.memory_space<hbm>> -> memref<100000x128xf32, #tpu.memory_space<hbm>>
      tpu.enqueue_indirect_dma source(%dma_start3A_735 : memref<100000x128xf32, #tpu.memory_space<hbm>>) target(%dma_start3A_729 : memref<128x128xf32, #tpu.memory_space<vmem>>) offsets(%dma_start3A_732 : memref<128xi32, #tpu.memory_space<vmem>>) semaphore(%arg11 : memref<!tpu.dma_semaphore, #tpu.memory_space<semaphore_mem>>)
      %mul3A_736 = arith.constant 3 : i32
      %mul3A_737 = arith.muli %scan3A_501, %mul3A_736 : i32
      %add3A_738 = arith.constant 2 : i32
      %add3A_739 = arith.addi %mul3A_737, %add3A_738 : i32
      %dma_wait3A_740 = arith.constant 1 : i32
      %dma_wait3A_741 = arith.constant 0 : i32
      %dma_wait3A_742 = arith.constant 1 : i32
      %dma_wait3A_743 = arith.constant 0 : i32
      %dma_wait3A_744 = arith.constant 0 : i32
      %dma_wait3A_745 = arith.constant 0 : i32
      %dma_wait3A_746 = tpu.memref_slice %arg6[%dma_wait3A_742, %dma_wait3A_743, %dma_wait3A_744, %dma_wait3A_745] : memref<3x2x128x128xf32, #tpu.memory_space<vmem>> -> memref<1x1x128x128xf32, #tpu.memory_space<vmem>>
      %dma_wait3A_747 = tpu.memref_squeeze %dma_wait3A_746 : memref<1x1x128x128xf32, #tpu.memory_space<vmem>> -> memref<128x128xf32, #tpu.memory_space<vmem>>
      %dma_wait3A_748 = arith.constant 0 : i32
      %dma_wait3A_749 = tpu.memref_slice %arg5[%dma_wait3A_740, %dma_wait3A_741, %dma_wait3A_748] : memref<3x2x128xi32, #tpu.memory_space<vmem>> -> memref<1x1x128xi32, #tpu.memory_space<vmem>>
      %dma_wait3A_750 = tpu.memref_squeeze %dma_wait3A_749 : memref<1x1x128xi32, #tpu.memory_space<vmem>> -> memref<128xi32, #tpu.memory_space<vmem>>
      %dma_wait3A_751 = arith.constant 0 : i32
      %dma_wait3A_752 = arith.constant 0 : i32
      %dma_wait3A_753 = tpu.memref_slice %arg2[%dma_wait3A_751, %dma_wait3A_752] : memref<100000x128xf32, #tpu.memory_space<hbm>> -> memref<100000x128xf32, #tpu.memory_space<hbm>>
      tpu.wait_indirect_dma semaphore(%arg11 : memref<!tpu.dma_semaphore, #tpu.memory_space<semaphore_mem>>) src(%dma_wait3A_753 : memref<100000x128xf32, #tpu.memory_space<hbm>>) dst(%dma_wait3A_747 : memref<128x128xf32, #tpu.memory_space<vmem>>)
      %dma_wait3A_754 = arith.constant 1 : i32
      %dma_wait3A_755 = arith.constant 1 : i32
      %dma_wait3A_756 = arith.constant 1 : i32
      %dma_wait3A_757 = arith.constant 1 : i32
      %dma_wait3A_758 = arith.constant 0 : i32
      %dma_wait3A_759 = arith.constant 0 : i32
      %dma_wait3A_760 = tpu.memref_slice %arg6[%dma_wait3A_756, %dma_wait3A_757, %dma_wait3A_758, %dma_wait3A_759] : memref<3x2x128x128xf32, #tpu.memory_space<vmem>> -> memref<1x1x128x128xf32, #tpu.memory_space<vmem>>
      %dma_wait3A_761 = tpu.memref_squeeze %dma_wait3A_760 : memref<1x1x128x128xf32, #tpu.memory_space<vmem>> -> memref<128x128xf32, #tpu.memory_space<vmem>>
      %dma_wait3A_762 = arith.constant 0 : i32
      %dma_wait3A_763 = tpu.memref_slice %arg5[%dma_wait3A_754, %dma_wait3A_755, %dma_wait3A_762] : memref<3x2x128xi32, #tpu.memory_space<vmem>> -> memref<1x1x128xi32, #tpu.memory_space<vmem>>
      %dma_wait3A_764 = tpu.memref_squeeze %dma_wait3A_763 : memref<1x1x128xi32, #tpu.memory_space<vmem>> -> memref<128xi32, #tpu.memory_space<vmem>>
      %dma_wait3A_765 = arith.constant 0 : i32
      %dma_wait3A_766 = arith.constant 0 : i32
      %dma_wait3A_767 = tpu.memref_slice %arg2[%dma_wait3A_765, %dma_wait3A_766] : memref<100000x128xf32, #tpu.memory_space<hbm>> -> memref<100000x128xf32, #tpu.memory_space<hbm>>
      tpu.wait_indirect_dma semaphore(%arg11 : memref<!tpu.dma_semaphore, #tpu.memory_space<semaphore_mem>>) src(%dma_wait3A_767 : memref<100000x128xf32, #tpu.memory_space<hbm>>) dst(%dma_wait3A_761 : memref<128x128xf32, #tpu.memory_space<vmem>>)
      %sub3A_768 = arith.constant 1 : i32
      %sub3A_769 = arith.subi %add3A_739, %sub3A_768 : i32
      %mul3A_770 = arith.constant 2 : i32
      %mul3A_771 = arith.muli %sub3A_769, %mul3A_770 : i32
      %add3A_772 = arith.addi %mul3A_2, %mul3A_771 : i32
      %dma_start3A_773 = arith.constant 1 : i32
      %dma_start3A_774 = arith.constant 0 : i32
      %dma_start3A_775 = arith.constant 0 : i32
      %dma_start3A_776 = arith.constant 0 : i32
      %dma_start3A_777 = tpu.memref_slice %arg6[%dma_start3A_773, %dma_start3A_774, %dma_start3A_775, %dma_start3A_776] : memref<3x2x128x128xf32, #tpu.memory_space<vmem>> -> memref<1x2x128x128xf32, #tpu.memory_space<vmem>>
      %dma_start3A_778 = tpu.memref_squeeze %dma_start3A_777 : memref<1x2x128x128xf32, #tpu.memory_space<vmem>> -> memref<2x128x128xf32, #tpu.memory_space<vmem>>
      %dma_start3A_779 = arith.constant 0 : i32
      %dma_start3A_780 = arith.constant 0 : i32
      %dma_start3A_781 = tpu.memref_slice %arg4[%add3A_772, %dma_start3A_779, %dma_start3A_780] : memref<6400x128x128xf32, #tpu.memory_space<hbm>> -> memref<2x128x128xf32, #tpu.memory_space<hbm>>
      %dma_start3A_782 = arith.constant 0 : i32
      %dma_start3A_783 = arith.constant 0 : i32
      %dma_start3A_784 = tpu.memref_slice %arg4[%add3A_772, %dma_start3A_782, %dma_start3A_783] : memref<6400x128x128xf32, #tpu.memory_space<hbm>> -> memref<2x128x128xf32, #tpu.memory_space<hbm>>
      %dma_start3A_785 = arith.constant 0 : i32
      %dma_start3A_786 = arith.constant 0 : i32
      %dma_start3A_787 = arith.constant 0 : i32
      %dma_start3A_788 = tpu.memref_slice %arg6[%dma_start3A_773, %dma_start3A_785, %dma_start3A_786, %dma_start3A_787] : memref<3x2x128x128xf32, #tpu.memory_space<vmem>> -> memref<1x2x128x128xf32, #tpu.memory_space<vmem>>
      %dma_start3A_789 = tpu.memref_squeeze %dma_start3A_788 : memref<1x2x128x128xf32, #tpu.memory_space<vmem>> -> memref<2x128x128xf32, #tpu.memory_space<vmem>>
      tpu.enqueue_dma source(%dma_start3A_789 : memref<2x128x128xf32, #tpu.memory_space<vmem>>) target(%dma_start3A_784 : memref<2x128x128xf32, #tpu.memory_space<hbm>>) target_semaphore(%arg14 : memref<!tpu.dma_semaphore, #tpu.memory_space<semaphore_mem>>)
      %add3A_790 = arith.constant 2 : i32
      %add3A_791 = arith.addi %add3A_739, %add3A_790 : i32
      %lt3A_792 = arith.constant 100 : i32
      %lt3A_793 = arith.cmpi slt, %add3A_791, %lt3A_792 : i32
      %convert_element_type3A_794 = arith.extui %lt3A_793 : i1 to i32
      %cond3A_795 = arith.constant 0 : i32
      %cond3A_796 = arith.cmpi ne, %convert_element_type3A_794, %cond3A_795 : i32
      scf.if %cond3A_796 {
        %add3A_855 = arith.constant 2 : i32
        %add3A_856 = arith.addi %add3A_739, %add3A_855 : i32
        %mul3A_857 = arith.constant 2 : i32
        %mul3A_858 = arith.muli %add3A_856, %mul3A_857 : i32
        %add3A_859 = arith.addi %mul3A_2, %mul3A_858 : i32
        %dma_start3A_860 = arith.constant 1 : i32
        %dma_start3A_861 = arith.constant 0 : i32
        %dma_start3A_862 = arith.constant 0 : i32
        %dma_start3A_863 = tpu.memref_slice %arg5[%dma_start3A_860, %dma_start3A_861, %dma_start3A_862] : memref<3x2x128xi32, #tpu.memory_space<vmem>> -> memref<1x2x128xi32, #tpu.memory_space<vmem>>
        %dma_start3A_864 = tpu.memref_squeeze %dma_start3A_863 : memref<1x2x128xi32, #tpu.memory_space<vmem>> -> memref<2x128xi32, #tpu.memory_space<vmem>>
        %dma_start3A_865 = arith.constant 0 : i32
        %dma_start3A_866 = tpu.memref_slice %arg3[%add3A_859, %dma_start3A_865] : memref<6400x128xi32, #tpu.memory_space<hbm>> -> memref<2x128xi32, #tpu.memory_space<hbm>>
        %dma_start3A_867 = arith.constant 0 : i32
        %dma_start3A_868 = arith.constant 0 : i32
        %dma_start3A_869 = tpu.memref_slice %arg5[%dma_start3A_860, %dma_start3A_867, %dma_start3A_868] : memref<3x2x128xi32, #tpu.memory_space<vmem>> -> memref<1x2x128xi32, #tpu.memory_space<vmem>>
        %dma_start3A_870 = tpu.memref_squeeze %dma_start3A_869 : memref<1x2x128xi32, #tpu.memory_space<vmem>> -> memref<2x128xi32, #tpu.memory_space<vmem>>
        %dma_start3A_871 = arith.constant 0 : i32
        %dma_start3A_872 = tpu.memref_slice %arg3[%add3A_859, %dma_start3A_871] : memref<6400x128xi32, #tpu.memory_space<hbm>> -> memref<2x128xi32, #tpu.memory_space<hbm>>
        tpu.enqueue_dma source(%dma_start3A_872 : memref<2x128xi32, #tpu.memory_space<hbm>>) target(%dma_start3A_870 : memref<2x128xi32, #tpu.memory_space<vmem>>) target_semaphore(%arg8 : memref<!tpu.dma_semaphore, #tpu.memory_space<semaphore_mem>>)
      } else {
      }
      %dma_wait3A_797 = arith.constant 2 : i32
      %dma_wait3A_798 = arith.constant 0 : i32
      %dma_wait3A_799 = arith.constant 0 : i32
      %dma_wait3A_800 = arith.constant 0 : i32
      %dma_wait3A_801 = tpu.memref_slice %arg6[%dma_wait3A_797, %dma_wait3A_798, %dma_wait3A_799, %dma_wait3A_800] : memref<3x2x128x128xf32, #tpu.memory_space<vmem>> -> memref<1x2x128x128xf32, #tpu.memory_space<vmem>>
      %dma_wait3A_802 = tpu.memref_squeeze %dma_wait3A_801 : memref<1x2x128x128xf32, #tpu.memory_space<vmem>> -> memref<2x128x128xf32, #tpu.memory_space<vmem>>
      %dma_wait3A_803 = arith.constant 0 : i32
      %dma_wait3A_804 = arith.constant 0 : i32
      %dma_wait3A_805 = tpu.memref_slice %arg4[%mul3A_2, %dma_wait3A_803, %dma_wait3A_804] : memref<6400x128x128xf32, #tpu.memory_space<hbm>> -> memref<2x128x128xf32, #tpu.memory_space<hbm>>
      %dma_wait3A_806 = arith.constant 0 : i32
      %dma_wait3A_807 = arith.constant 0 : i32
      %dma_wait3A_808 = tpu.memref_slice %arg4[%mul3A_2, %dma_wait3A_806, %dma_wait3A_807] : memref<6400x128x128xf32, #tpu.memory_space<hbm>> -> memref<2x128x128xf32, #tpu.memory_space<hbm>>
      %dma_wait3A_809 = arith.constant 0 : i32
      %dma_wait3A_810 = arith.constant 0 : i32
      %dma_wait3A_811 = arith.constant 0 : i32
      %dma_wait3A_812 = tpu.memref_slice %arg6[%dma_wait3A_797, %dma_wait3A_809, %dma_wait3A_810, %dma_wait3A_811] : memref<3x2x128x128xf32, #tpu.memory_space<vmem>> -> memref<1x2x128x128xf32, #tpu.memory_space<vmem>>
      %dma_wait3A_813 = tpu.memref_squeeze %dma_wait3A_812 : memref<1x2x128x128xf32, #tpu.memory_space<vmem>> -> memref<2x128x128xf32, #tpu.memory_space<vmem>>
      tpu.wait_dma2 semaphore(%arg15 : memref<!tpu.dma_semaphore, #tpu.memory_space<semaphore_mem>>) src(%dma_wait3A_813 : memref<2x128x128xf32, #tpu.memory_space<vmem>>) dst(%dma_wait3A_808 : memref<2x128x128xf32, #tpu.memory_space<hbm>>)
      %dma_wait3A_814 = arith.constant 2 : i32
      %dma_wait3A_815 = arith.constant 0 : i32
      %dma_wait3A_816 = arith.constant 0 : i32
      %dma_wait3A_817 = tpu.memref_slice %arg5[%dma_wait3A_814, %dma_wait3A_815, %dma_wait3A_816] : memref<3x2x128xi32, #tpu.memory_space<vmem>> -> memref<1x2x128xi32, #tpu.memory_space<vmem>>
      %dma_wait3A_818 = tpu.memref_squeeze %dma_wait3A_817 : memref<1x2x128xi32, #tpu.memory_space<vmem>> -> memref<2x128xi32, #tpu.memory_space<vmem>>
      %dma_wait3A_819 = arith.constant 0 : i32
      %dma_wait3A_820 = tpu.memref_slice %arg3[%mul3A_2, %dma_wait3A_819] : memref<6400x128xi32, #tpu.memory_space<hbm>> -> memref<2x128xi32, #tpu.memory_space<hbm>>
      %dma_wait3A_821 = arith.constant 0 : i32
      %dma_wait3A_822 = arith.constant 0 : i32
      %dma_wait3A_823 = tpu.memref_slice %arg5[%dma_wait3A_814, %dma_wait3A_821, %dma_wait3A_822] : memref<3x2x128xi32, #tpu.memory_space<vmem>> -> memref<1x2x128xi32, #tpu.memory_space<vmem>>
      %dma_wait3A_824 = tpu.memref_squeeze %dma_wait3A_823 : memref<1x2x128xi32, #tpu.memory_space<vmem>> -> memref<2x128xi32, #tpu.memory_space<vmem>>
      %dma_wait3A_825 = arith.constant 0 : i32
      %dma_wait3A_826 = tpu.memref_slice %arg3[%mul3A_2, %dma_wait3A_825] : memref<6400x128xi32, #tpu.memory_space<hbm>> -> memref<2x128xi32, #tpu.memory_space<hbm>>
      tpu.wait_dma2 semaphore(%arg9 : memref<!tpu.dma_semaphore, #tpu.memory_space<semaphore_mem>>) src(%dma_wait3A_826 : memref<2x128xi32, #tpu.memory_space<hbm>>) dst(%dma_wait3A_824 : memref<2x128xi32, #tpu.memory_space<vmem>>)
      %dma_start3A_827 = arith.constant 2 : i32
      %dma_start3A_828 = arith.constant 0 : i32
      %dma_start3A_829 = arith.constant 2 : i32
      %dma_start3A_830 = arith.constant 0 : i32
      %dma_start3A_831 = arith.constant 0 : i32
      %dma_start3A_832 = arith.constant 0 : i32
      %dma_start3A_833 = tpu.memref_slice %arg6[%dma_start3A_829, %dma_start3A_830, %dma_start3A_831, %dma_start3A_832] : memref<3x2x128x128xf32, #tpu.memory_space<vmem>> -> memref<1x1x128x128xf32, #tpu.memory_space<vmem>>
      %dma_start3A_834 = tpu.memref_squeeze %dma_start3A_833 : memref<1x1x128x128xf32, #tpu.memory_space<vmem>> -> memref<128x128xf32, #tpu.memory_space<vmem>>
      %dma_start3A_835 = arith.constant 0 : i32
      %dma_start3A_836 = tpu.memref_slice %arg5[%dma_start3A_827, %dma_start3A_828, %dma_start3A_835] : memref<3x2x128xi32, #tpu.memory_space<vmem>> -> memref<1x1x128xi32, #tpu.memory_space<vmem>>
      %dma_start3A_837 = tpu.memref_squeeze %dma_start3A_836 : memref<1x1x128xi32, #tpu.memory_space<vmem>> -> memref<128xi32, #tpu.memory_space<vmem>>
      %dma_start3A_838 = arith.constant 0 : i32
      %dma_start3A_839 = arith.constant 0 : i32
      %dma_start3A_840 = tpu.memref_slice %arg2[%dma_start3A_838, %dma_start3A_839] : memref<100000x128xf32, #tpu.memory_space<hbm>> -> memref<100000x128xf32, #tpu.memory_space<hbm>>
      tpu.enqueue_indirect_dma source(%dma_start3A_840 : memref<100000x128xf32, #tpu.memory_space<hbm>>) target(%dma_start3A_834 : memref<128x128xf32, #tpu.memory_space<vmem>>) offsets(%dma_start3A_837 : memref<128xi32, #tpu.memory_space<vmem>>) semaphore(%arg12 : memref<!tpu.dma_semaphore, #tpu.memory_space<semaphore_mem>>)
      %dma_start3A_841 = arith.constant 2 : i32
      %dma_start3A_842 = arith.constant 1 : i32
      %dma_start3A_843 = arith.constant 2 : i32
      %dma_start3A_844 = arith.constant 1 : i32
      %dma_start3A_845 = arith.constant 0 : i32
      %dma_start3A_846 = arith.constant 0 : i32
      %dma_start3A_847 = tpu.memref_slice %arg6[%dma_start3A_843, %dma_start3A_844, %dma_start3A_845, %dma_start3A_846] : memref<3x2x128x128xf32, #tpu.memory_space<vmem>> -> memref<1x1x128x128xf32, #tpu.memory_space<vmem>>
      %dma_start3A_848 = tpu.memref_squeeze %dma_start3A_847 : memref<1x1x128x128xf32, #tpu.memory_space<vmem>> -> memref<128x128xf32, #tpu.memory_space<vmem>>
      %dma_start3A_849 = arith.constant 0 : i32
      %dma_start3A_850 = tpu.memref_slice %arg5[%dma_start3A_841, %dma_start3A_842, %dma_start3A_849] : memref<3x2x128xi32, #tpu.memory_space<vmem>> -> memref<1x1x128xi32, #tpu.memory_space<vmem>>
      %dma_start3A_851 = tpu.memref_squeeze %dma_start3A_850 : memref<1x1x128xi32, #tpu.memory_space<vmem>> -> memref<128xi32, #tpu.memory_space<vmem>>
      %dma_start3A_852 = arith.constant 0 : i32
      %dma_start3A_853 = arith.constant 0 : i32
      %dma_start3A_854 = tpu.memref_slice %arg2[%dma_start3A_852, %dma_start3A_853] : memref<100000x128xf32, #tpu.memory_space<hbm>> -> memref<100000x128xf32, #tpu.memory_space<hbm>>
      tpu.enqueue_indirect_dma source(%dma_start3A_854 : memref<100000x128xf32, #tpu.memory_space<hbm>>) target(%dma_start3A_848 : memref<128x128xf32, #tpu.memory_space<vmem>>) offsets(%dma_start3A_851 : memref<128xi32, #tpu.memory_space<vmem>>) semaphore(%arg12 : memref<!tpu.dma_semaphore, #tpu.memory_space<semaphore_mem>>)
    }
    %scan3A_297 = arith.constant 32 : i32
    %dma_wait3A_298 = arith.constant 2 : i32
    %dma_wait3A_299 = arith.constant 0 : i32
    %dma_wait3A_300 = arith.constant 2 : i32
    %dma_wait3A_301 = arith.constant 0 : i32
    %dma_wait3A_302 = arith.constant 0 : i32
    %dma_wait3A_303 = arith.constant 0 : i32
    %dma_wait3A_304 = tpu.memref_slice %arg6[%dma_wait3A_300, %dma_wait3A_301, %dma_wait3A_302, %dma_wait3A_303] : memref<3x2x128x128xf32, #tpu.memory_space<vmem>> -> memref<1x1x128x128xf32, #tpu.memory_space<vmem>>
    %dma_wait3A_305 = tpu.memref_squeeze %dma_wait3A_304 : memref<1x1x128x128xf32, #tpu.memory_space<vmem>> -> memref<128x128xf32, #tpu.memory_space<vmem>>
    %dma_wait3A_306 = arith.constant 0 : i32
    %dma_wait3A_307 = tpu.memref_slice %arg5[%dma_wait3A_298, %dma_wait3A_299, %dma_wait3A_306] : memref<3x2x128xi32, #tpu.memory_space<vmem>> -> memref<1x1x128xi32, #tpu.memory_space<vmem>>
    %dma_wait3A_308 = tpu.memref_squeeze %dma_wait3A_307 : memref<1x1x128xi32, #tpu.memory_space<vmem>> -> memref<128xi32, #tpu.memory_space<vmem>>
    %dma_wait3A_309 = arith.constant 0 : i32
    %dma_wait3A_310 = arith.constant 0 : i32
    %dma_wait3A_311 = tpu.memref_slice %arg2[%dma_wait3A_309, %dma_wait3A_310] : memref<100000x128xf32, #tpu.memory_space<hbm>> -> memref<100000x128xf32, #tpu.memory_space<hbm>>
    tpu.wait_indirect_dma semaphore(%arg12 : memref<!tpu.dma_semaphore, #tpu.memory_space<semaphore_mem>>) src(%dma_wait3A_311 : memref<100000x128xf32, #tpu.memory_space<hbm>>) dst(%dma_wait3A_305 : memref<128x128xf32, #tpu.memory_space<vmem>>)
    %dma_wait3A_312 = arith.constant 2 : i32
    %dma_wait3A_313 = arith.constant 1 : i32
    %dma_wait3A_314 = arith.constant 2 : i32
    %dma_wait3A_315 = arith.constant 1 : i32
    %dma_wait3A_316 = arith.constant 0 : i32
    %dma_wait3A_317 = arith.constant 0 : i32
    %dma_wait3A_318 = tpu.memref_slice %arg6[%dma_wait3A_314, %dma_wait3A_315, %dma_wait3A_316, %dma_wait3A_317] : memref<3x2x128x128xf32, #tpu.memory_space<vmem>> -> memref<1x1x128x128xf32, #tpu.memory_space<vmem>>
    %dma_wait3A_319 = tpu.memref_squeeze %dma_wait3A_318 : memref<1x1x128x128xf32, #tpu.memory_space<vmem>> -> memref<128x128xf32, #tpu.memory_space<vmem>>
    %dma_wait3A_320 = arith.constant 0 : i32
    %dma_wait3A_321 = tpu.memref_slice %arg5[%dma_wait3A_312, %dma_wait3A_313, %dma_wait3A_320] : memref<3x2x128xi32, #tpu.memory_space<vmem>> -> memref<1x1x128xi32, #tpu.memory_space<vmem>>
    %dma_wait3A_322 = tpu.memref_squeeze %dma_wait3A_321 : memref<1x1x128xi32, #tpu.memory_space<vmem>> -> memref<128xi32, #tpu.memory_space<vmem>>
    %dma_wait3A_323 = arith.constant 0 : i32
    %dma_wait3A_324 = arith.constant 0 : i32
    %dma_wait3A_325 = tpu.memref_slice %arg2[%dma_wait3A_323, %dma_wait3A_324] : memref<100000x128xf32, #tpu.memory_space<hbm>> -> memref<100000x128xf32, #tpu.memory_space<hbm>>
    tpu.wait_indirect_dma semaphore(%arg12 : memref<!tpu.dma_semaphore, #tpu.memory_space<semaphore_mem>>) src(%dma_wait3A_325 : memref<100000x128xf32, #tpu.memory_space<hbm>>) dst(%dma_wait3A_319 : memref<128x128xf32, #tpu.memory_space<vmem>>)
    %add3A_326 = arith.constant 196 : i32
    %add3A_327 = arith.addi %mul3A_2, %add3A_326 : i32
    %dma_start3A_328 = arith.constant 2 : i32
    %dma_start3A_329 = arith.constant 0 : i32
    %dma_start3A_330 = arith.constant 0 : i32
    %dma_start3A_331 = arith.constant 0 : i32
    %dma_start3A_332 = tpu.memref_slice %arg6[%dma_start3A_328, %dma_start3A_329, %dma_start3A_330, %dma_start3A_331] : memref<3x2x128x128xf32, #tpu.memory_space<vmem>> -> memref<1x2x128x128xf32, #tpu.memory_space<vmem>>
    %dma_start3A_333 = tpu.memref_squeeze %dma_start3A_332 : memref<1x2x128x128xf32, #tpu.memory_space<vmem>> -> memref<2x128x128xf32, #tpu.memory_space<vmem>>
    %dma_start3A_334 = arith.constant 0 : i32
    %dma_start3A_335 = arith.constant 0 : i32
    %dma_start3A_336 = tpu.memref_slice %arg4[%add3A_327, %dma_start3A_334, %dma_start3A_335] : memref<6400x128x128xf32, #tpu.memory_space<hbm>> -> memref<2x128x128xf32, #tpu.memory_space<hbm>>
    %dma_start3A_337 = arith.constant 0 : i32
    %dma_start3A_338 = arith.constant 0 : i32
    %dma_start3A_339 = tpu.memref_slice %arg4[%add3A_327, %dma_start3A_337, %dma_start3A_338] : memref<6400x128x128xf32, #tpu.memory_space<hbm>> -> memref<2x128x128xf32, #tpu.memory_space<hbm>>
    %dma_start3A_340 = arith.constant 0 : i32
    %dma_start3A_341 = arith.constant 0 : i32
    %dma_start3A_342 = arith.constant 0 : i32
    %dma_start3A_343 = tpu.memref_slice %arg6[%dma_start3A_328, %dma_start3A_340, %dma_start3A_341, %dma_start3A_342] : memref<3x2x128x128xf32, #tpu.memory_space<vmem>> -> memref<1x2x128x128xf32, #tpu.memory_space<vmem>>
    %dma_start3A_344 = tpu.memref_squeeze %dma_start3A_343 : memref<1x2x128x128xf32, #tpu.memory_space<vmem>> -> memref<2x128x128xf32, #tpu.memory_space<vmem>>
    tpu.enqueue_dma source(%dma_start3A_344 : memref<2x128x128xf32, #tpu.memory_space<vmem>>) target(%dma_start3A_339 : memref<2x128x128xf32, #tpu.memory_space<hbm>>) target_semaphore(%arg15 : memref<!tpu.dma_semaphore, #tpu.memory_space<semaphore_mem>>)
    %dma_wait3A_345 = arith.constant 0 : i32
    %dma_wait3A_346 = arith.constant 0 : i32
    %dma_wait3A_347 = arith.constant 0 : i32
    %dma_wait3A_348 = arith.constant 0 : i32
    %dma_wait3A_349 = tpu.memref_slice %arg6[%dma_wait3A_345, %dma_wait3A_346, %dma_wait3A_347, %dma_wait3A_348] : memref<3x2x128x128xf32, #tpu.memory_space<vmem>> -> memref<1x2x128x128xf32, #tpu.memory_space<vmem>>
    %dma_wait3A_350 = tpu.memref_squeeze %dma_wait3A_349 : memref<1x2x128x128xf32, #tpu.memory_space<vmem>> -> memref<2x128x128xf32, #tpu.memory_space<vmem>>
    %dma_wait3A_351 = arith.constant 0 : i32
    %dma_wait3A_352 = arith.constant 0 : i32
    %dma_wait3A_353 = tpu.memref_slice %arg4[%mul3A_2, %dma_wait3A_351, %dma_wait3A_352] : memref<6400x128x128xf32, #tpu.memory_space<hbm>> -> memref<2x128x128xf32, #tpu.memory_space<hbm>>
    %dma_wait3A_354 = arith.constant 0 : i32
    %dma_wait3A_355 = arith.constant 0 : i32
    %dma_wait3A_356 = tpu.memref_slice %arg4[%mul3A_2, %dma_wait3A_354, %dma_wait3A_355] : memref<6400x128x128xf32, #tpu.memory_space<hbm>> -> memref<2x128x128xf32, #tpu.memory_space<hbm>>
    %dma_wait3A_357 = arith.constant 0 : i32
    %dma_wait3A_358 = arith.constant 0 : i32
    %dma_wait3A_359 = arith.constant 0 : i32
    %dma_wait3A_360 = tpu.memref_slice %arg6[%dma_wait3A_345, %dma_wait3A_357, %dma_wait3A_358, %dma_wait3A_359] : memref<3x2x128x128xf32, #tpu.memory_space<vmem>> -> memref<1x2x128x128xf32, #tpu.memory_space<vmem>>
    %dma_wait3A_361 = tpu.memref_squeeze %dma_wait3A_360 : memref<1x2x128x128xf32, #tpu.memory_space<vmem>> -> memref<2x128x128xf32, #tpu.memory_space<vmem>>
    tpu.wait_dma2 semaphore(%arg13 : memref<!tpu.dma_semaphore, #tpu.memory_space<semaphore_mem>>) src(%dma_wait3A_361 : memref<2x128x128xf32, #tpu.memory_space<vmem>>) dst(%dma_wait3A_356 : memref<2x128x128xf32, #tpu.memory_space<hbm>>)
    %dma_wait3A_362 = arith.constant 0 : i32
    %dma_wait3A_363 = arith.constant 0 : i32
    %dma_wait3A_364 = arith.constant 0 : i32
    %dma_wait3A_365 = tpu.memref_slice %arg5[%dma_wait3A_362, %dma_wait3A_363, %dma_wait3A_364] : memref<3x2x128xi32, #tpu.memory_space<vmem>> -> memref<1x2x128xi32, #tpu.memory_space<vmem>>
    %dma_wait3A_366 = tpu.memref_squeeze %dma_wait3A_365 : memref<1x2x128xi32, #tpu.memory_space<vmem>> -> memref<2x128xi32, #tpu.memory_space<vmem>>
    %dma_wait3A_367 = arith.constant 0 : i32
    %dma_wait3A_368 = tpu.memref_slice %arg3[%mul3A_2, %dma_wait3A_367] : memref<6400x128xi32, #tpu.memory_space<hbm>> -> memref<2x128xi32, #tpu.memory_space<hbm>>
    %dma_wait3A_369 = arith.constant 0 : i32
    %dma_wait3A_370 = arith.constant 0 : i32
    %dma_wait3A_371 = tpu.memref_slice %arg5[%dma_wait3A_362, %dma_wait3A_369, %dma_wait3A_370] : memref<3x2x128xi32, #tpu.memory_space<vmem>> -> memref<1x2x128xi32, #tpu.memory_space<vmem>>
    %dma_wait3A_372 = tpu.memref_squeeze %dma_wait3A_371 : memref<1x2x128xi32, #tpu.memory_space<vmem>> -> memref<2x128xi32, #tpu.memory_space<vmem>>
    %dma_wait3A_373 = arith.constant 0 : i32
    %dma_wait3A_374 = tpu.memref_slice %arg3[%mul3A_2, %dma_wait3A_373] : memref<6400x128xi32, #tpu.memory_space<hbm>> -> memref<2x128xi32, #tpu.memory_space<hbm>>
    tpu.wait_dma2 semaphore(%arg7 : memref<!tpu.dma_semaphore, #tpu.memory_space<semaphore_mem>>) src(%dma_wait3A_374 : memref<2x128xi32, #tpu.memory_space<hbm>>) dst(%dma_wait3A_372 : memref<2x128xi32, #tpu.memory_space<vmem>>)
    %dma_start3A_375 = arith.constant 0 : i32
    %dma_start3A_376 = arith.constant 0 : i32
    %dma_start3A_377 = arith.constant 0 : i32
    %dma_start3A_378 = arith.constant 0 : i32
    %dma_start3A_379 = arith.constant 0 : i32
    %dma_start3A_380 = arith.constant 0 : i32
    %dma_start3A_381 = tpu.memref_slice %arg6[%dma_start3A_377, %dma_start3A_378, %dma_start3A_379, %dma_start3A_380] : memref<3x2x128x128xf32, #tpu.memory_space<vmem>> -> memref<1x1x128x128xf32, #tpu.memory_space<vmem>>
    %dma_start3A_382 = tpu.memref_squeeze %dma_start3A_381 : memref<1x1x128x128xf32, #tpu.memory_space<vmem>> -> memref<128x128xf32, #tpu.memory_space<vmem>>
    %dma_start3A_383 = arith.constant 0 : i32
    %dma_start3A_384 = tpu.memref_slice %arg5[%dma_start3A_375, %dma_start3A_376, %dma_start3A_383] : memref<3x2x128xi32, #tpu.memory_space<vmem>> -> memref<1x1x128xi32, #tpu.memory_space<vmem>>
    %dma_start3A_385 = tpu.memref_squeeze %dma_start3A_384 : memref<1x1x128xi32, #tpu.memory_space<vmem>> -> memref<128xi32, #tpu.memory_space<vmem>>
    %dma_start3A_386 = arith.constant 0 : i32
    %dma_start3A_387 = arith.constant 0 : i32
    %dma_start3A_388 = tpu.memref_slice %arg2[%dma_start3A_386, %dma_start3A_387] : memref<100000x128xf32, #tpu.memory_space<hbm>> -> memref<100000x128xf32, #tpu.memory_space<hbm>>
    tpu.enqueue_indirect_dma source(%dma_start3A_388 : memref<100000x128xf32, #tpu.memory_space<hbm>>) target(%dma_start3A_382 : memref<128x128xf32, #tpu.memory_space<vmem>>) offsets(%dma_start3A_385 : memref<128xi32, #tpu.memory_space<vmem>>) semaphore(%arg10 : memref<!tpu.dma_semaphore, #tpu.memory_space<semaphore_mem>>)
    %dma_start3A_389 = arith.constant 0 : i32
    %dma_start3A_390 = arith.constant 1 : i32
    %dma_start3A_391 = arith.constant 0 : i32
    %dma_start3A_392 = arith.constant 1 : i32
    %dma_start3A_393 = arith.constant 0 : i32
    %dma_start3A_394 = arith.constant 0 : i32
    %dma_start3A_395 = tpu.memref_slice %arg6[%dma_start3A_391, %dma_start3A_392, %dma_start3A_393, %dma_start3A_394] : memref<3x2x128x128xf32, #tpu.memory_space<vmem>> -> memref<1x1x128x128xf32, #tpu.memory_space<vmem>>
    %dma_start3A_396 = tpu.memref_squeeze %dma_start3A_395 : memref<1x1x128x128xf32, #tpu.memory_space<vmem>> -> memref<128x128xf32, #tpu.memory_space<vmem>>
    %dma_start3A_397 = arith.constant 0 : i32
    %dma_start3A_398 = tpu.memref_slice %arg5[%dma_start3A_389, %dma_start3A_390, %dma_start3A_397] : memref<3x2x128xi32, #tpu.memory_space<vmem>> -> memref<1x1x128xi32, #tpu.memory_space<vmem>>
    %dma_start3A_399 = tpu.memref_squeeze %dma_start3A_398 : memref<1x1x128xi32, #tpu.memory_space<vmem>> -> memref<128xi32, #tpu.memory_space<vmem>>
    %dma_start3A_400 = arith.constant 0 : i32
    %dma_start3A_401 = arith.constant 0 : i32
    %dma_start3A_402 = tpu.memref_slice %arg2[%dma_start3A_400, %dma_start3A_401] : memref<100000x128xf32, #tpu.memory_space<hbm>> -> memref<100000x128xf32, #tpu.memory_space<hbm>>
    tpu.enqueue_indirect_dma source(%dma_start3A_402 : memref<100000x128xf32, #tpu.memory_space<hbm>>) target(%dma_start3A_396 : memref<128x128xf32, #tpu.memory_space<vmem>>) offsets(%dma_start3A_399 : memref<128xi32, #tpu.memory_space<vmem>>) semaphore(%arg10 : memref<!tpu.dma_semaphore, #tpu.memory_space<semaphore_mem>>)
    %dma_wait3A_403 = arith.constant 0 : i32
    %dma_wait3A_404 = arith.constant 0 : i32
    %dma_wait3A_405 = arith.constant 0 : i32
    %dma_wait3A_406 = arith.constant 0 : i32
    %dma_wait3A_407 = arith.constant 0 : i32
    %dma_wait3A_408 = arith.constant 0 : i32
    %dma_wait3A_409 = tpu.memref_slice %arg6[%dma_wait3A_405, %dma_wait3A_406, %dma_wait3A_407, %dma_wait3A_408] : memref<3x2x128x128xf32, #tpu.memory_space<vmem>> -> memref<1x1x128x128xf32, #tpu.memory_space<vmem>>
    %dma_wait3A_410 = tpu.memref_squeeze %dma_wait3A_409 : memref<1x1x128x128xf32, #tpu.memory_space<vmem>> -> memref<128x128xf32, #tpu.memory_space<vmem>>
    %dma_wait3A_411 = arith.constant 0 : i32
    %dma_wait3A_412 = tpu.memref_slice %arg5[%dma_wait3A_403, %dma_wait3A_404, %dma_wait3A_411] : memref<3x2x128xi32, #tpu.memory_space<vmem>> -> memref<1x1x128xi32, #tpu.memory_space<vmem>>
    %dma_wait3A_413 = tpu.memref_squeeze %dma_wait3A_412 : memref<1x1x128xi32, #tpu.memory_space<vmem>> -> memref<128xi32, #tpu.memory_space<vmem>>
    %dma_wait3A_414 = arith.constant 0 : i32
    %dma_wait3A_415 = arith.constant 0 : i32
    %dma_wait3A_416 = tpu.memref_slice %arg2[%dma_wait3A_414, %dma_wait3A_415] : memref<100000x128xf32, #tpu.memory_space<hbm>> -> memref<100000x128xf32, #tpu.memory_space<hbm>>
    tpu.wait_indirect_dma semaphore(%arg10 : memref<!tpu.dma_semaphore, #tpu.memory_space<semaphore_mem>>) src(%dma_wait3A_416 : memref<100000x128xf32, #tpu.memory_space<hbm>>) dst(%dma_wait3A_410 : memref<128x128xf32, #tpu.memory_space<vmem>>)
    %dma_wait3A_417 = arith.constant 0 : i32
    %dma_wait3A_418 = arith.constant 1 : i32
    %dma_wait3A_419 = arith.constant 0 : i32
    %dma_wait3A_420 = arith.constant 1 : i32
    %dma_wait3A_421 = arith.constant 0 : i32
    %dma_wait3A_422 = arith.constant 0 : i32
    %dma_wait3A_423 = tpu.memref_slice %arg6[%dma_wait3A_419, %dma_wait3A_420, %dma_wait3A_421, %dma_wait3A_422] : memref<3x2x128x128xf32, #tpu.memory_space<vmem>> -> memref<1x1x128x128xf32, #tpu.memory_space<vmem>>
    %dma_wait3A_424 = tpu.memref_squeeze %dma_wait3A_423 : memref<1x1x128x128xf32, #tpu.memory_space<vmem>> -> memref<128x128xf32, #tpu.memory_space<vmem>>
    %dma_wait3A_425 = arith.constant 0 : i32
    %dma_wait3A_426 = tpu.memref_slice %arg5[%dma_wait3A_417, %dma_wait3A_418, %dma_wait3A_425] : memref<3x2x128xi32, #tpu.memory_space<vmem>> -> memref<1x1x128xi32, #tpu.memory_space<vmem>>
    %dma_wait3A_427 = tpu.memref_squeeze %dma_wait3A_426 : memref<1x1x128xi32, #tpu.memory_space<vmem>> -> memref<128xi32, #tpu.memory_space<vmem>>
    %dma_wait3A_428 = arith.constant 0 : i32
    %dma_wait3A_429 = arith.constant 0 : i32
    %dma_wait3A_430 = tpu.memref_slice %arg2[%dma_wait3A_428, %dma_wait3A_429] : memref<100000x128xf32, #tpu.memory_space<hbm>> -> memref<100000x128xf32, #tpu.memory_space<hbm>>
    tpu.wait_indirect_dma semaphore(%arg10 : memref<!tpu.dma_semaphore, #tpu.memory_space<semaphore_mem>>) src(%dma_wait3A_430 : memref<100000x128xf32, #tpu.memory_space<hbm>>) dst(%dma_wait3A_424 : memref<128x128xf32, #tpu.memory_space<vmem>>)
    %add3A_431 = arith.constant 198 : i32
    %add3A_432 = arith.addi %mul3A_2, %add3A_431 : i32
    %dma_start3A_433 = arith.constant 0 : i32
    %dma_start3A_434 = arith.constant 0 : i32
    %dma_start3A_435 = arith.constant 0 : i32
    %dma_start3A_436 = arith.constant 0 : i32
    %dma_start3A_437 = tpu.memref_slice %arg6[%dma_start3A_433, %dma_start3A_434, %dma_start3A_435, %dma_start3A_436] : memref<3x2x128x128xf32, #tpu.memory_space<vmem>> -> memref<1x2x128x128xf32, #tpu.memory_space<vmem>>
    %dma_start3A_438 = tpu.memref_squeeze %dma_start3A_437 : memref<1x2x128x128xf32, #tpu.memory_space<vmem>> -> memref<2x128x128xf32, #tpu.memory_space<vmem>>
    %dma_start3A_439 = arith.constant 0 : i32
    %dma_start3A_440 = arith.constant 0 : i32
    %dma_start3A_441 = tpu.memref_slice %arg4[%add3A_432, %dma_start3A_439, %dma_start3A_440] : memref<6400x128x128xf32, #tpu.memory_space<hbm>> -> memref<2x128x128xf32, #tpu.memory_space<hbm>>
    %dma_start3A_442 = arith.constant 0 : i32
    %dma_start3A_443 = arith.constant 0 : i32
    %dma_start3A_444 = tpu.memref_slice %arg4[%add3A_432, %dma_start3A_442, %dma_start3A_443] : memref<6400x128x128xf32, #tpu.memory_space<hbm>> -> memref<2x128x128xf32, #tpu.memory_space<hbm>>
    %dma_start3A_445 = arith.constant 0 : i32
    %dma_start3A_446 = arith.constant 0 : i32
    %dma_start3A_447 = arith.constant 0 : i32
    %dma_start3A_448 = tpu.memref_slice %arg6[%dma_start3A_433, %dma_start3A_445, %dma_start3A_446, %dma_start3A_447] : memref<3x2x128x128xf32, #tpu.memory_space<vmem>> -> memref<1x2x128x128xf32, #tpu.memory_space<vmem>>
    %dma_start3A_449 = tpu.memref_squeeze %dma_start3A_448 : memref<1x2x128x128xf32, #tpu.memory_space<vmem>> -> memref<2x128x128xf32, #tpu.memory_space<vmem>>
    tpu.enqueue_dma source(%dma_start3A_449 : memref<2x128x128xf32, #tpu.memory_space<vmem>>) target(%dma_start3A_444 : memref<2x128x128xf32, #tpu.memory_space<hbm>>) target_semaphore(%arg13 : memref<!tpu.dma_semaphore, #tpu.memory_space<semaphore_mem>>)
    %dma_wait3A_450 = arith.constant 0 : i32
    %dma_wait3A_451 = arith.constant 0 : i32
    %dma_wait3A_452 = arith.constant 0 : i32
    %dma_wait3A_453 = arith.constant 0 : i32
    %dma_wait3A_454 = tpu.memref_slice %arg6[%dma_wait3A_450, %dma_wait3A_451, %dma_wait3A_452, %dma_wait3A_453] : memref<3x2x128x128xf32, #tpu.memory_space<vmem>> -> memref<1x2x128x128xf32, #tpu.memory_space<vmem>>
    %dma_wait3A_455 = tpu.memref_squeeze %dma_wait3A_454 : memref<1x2x128x128xf32, #tpu.memory_space<vmem>> -> memref<2x128x128xf32, #tpu.memory_space<vmem>>
    %dma_wait3A_456 = arith.constant 0 : i32
    %dma_wait3A_457 = arith.constant 0 : i32
    %dma_wait3A_458 = tpu.memref_slice %arg4[%mul3A_2, %dma_wait3A_456, %dma_wait3A_457] : memref<6400x128x128xf32, #tpu.memory_space<hbm>> -> memref<2x128x128xf32, #tpu.memory_space<hbm>>
    %dma_wait3A_459 = arith.constant 0 : i32
    %dma_wait3A_460 = arith.constant 0 : i32
    %dma_wait3A_461 = tpu.memref_slice %arg4[%mul3A_2, %dma_wait3A_459, %dma_wait3A_460] : memref<6400x128x128xf32, #tpu.memory_space<hbm>> -> memref<2x128x128xf32, #tpu.memory_space<hbm>>
    %dma_wait3A_462 = arith.constant 0 : i32
    %dma_wait3A_463 = arith.constant 0 : i32
    %dma_wait3A_464 = arith.constant 0 : i32
    %dma_wait3A_465 = tpu.memref_slice %arg6[%dma_wait3A_450, %dma_wait3A_462, %dma_wait3A_463, %dma_wait3A_464] : memref<3x2x128x128xf32, #tpu.memory_space<vmem>> -> memref<1x2x128x128xf32, #tpu.memory_space<vmem>>
    %dma_wait3A_466 = tpu.memref_squeeze %dma_wait3A_465 : memref<1x2x128x128xf32, #tpu.memory_space<vmem>> -> memref<2x128x128xf32, #tpu.memory_space<vmem>>
    tpu.wait_dma2 semaphore(%arg13 : memref<!tpu.dma_semaphore, #tpu.memory_space<semaphore_mem>>) src(%dma_wait3A_466 : memref<2x128x128xf32, #tpu.memory_space<vmem>>) dst(%dma_wait3A_461 : memref<2x128x128xf32, #tpu.memory_space<hbm>>)
    %dma_wait3A_467 = arith.constant 1 : i32
    %dma_wait3A_468 = arith.constant 0 : i32
    %dma_wait3A_469 = arith.constant 0 : i32
    %dma_wait3A_470 = arith.constant 0 : i32
    %dma_wait3A_471 = tpu.memref_slice %arg6[%dma_wait3A_467, %dma_wait3A_468, %dma_wait3A_469, %dma_wait3A_470] : memref<3x2x128x128xf32, #tpu.memory_space<vmem>> -> memref<1x2x128x128xf32, #tpu.memory_space<vmem>>
    %dma_wait3A_472 = tpu.memref_squeeze %dma_wait3A_471 : memref<1x2x128x128xf32, #tpu.memory_space<vmem>> -> memref<2x128x128xf32, #tpu.memory_space<vmem>>
    %dma_wait3A_473 = arith.constant 0 : i32
    %dma_wait3A_474 = arith.constant 0 : i32
    %dma_wait3A_475 = tpu.memref_slice %arg4[%mul3A_2, %dma_wait3A_473, %dma_wait3A_474] : memref<6400x128x128xf32, #tpu.memory_space<hbm>> -> memref<2x128x128xf32, #tpu.memory_space<hbm>>
    %dma_wait3A_476 = arith.constant 0 : i32
    %dma_wait3A_477 = arith.constant 0 : i32
    %dma_wait3A_478 = tpu.memref_slice %arg4[%mul3A_2, %dma_wait3A_476, %dma_wait3A_477] : memref<6400x128x128xf32, #tpu.memory_space<hbm>> -> memref<2x128x128xf32, #tpu.memory_space<hbm>>
    %dma_wait3A_479 = arith.constant 0 : i32
    %dma_wait3A_480 = arith.constant 0 : i32
    %dma_wait3A_481 = arith.constant 0 : i32
    %dma_wait3A_482 = tpu.memref_slice %arg6[%dma_wait3A_467, %dma_wait3A_479, %dma_wait3A_480, %dma_wait3A_481] : memref<3x2x128x128xf32, #tpu.memory_space<vmem>> -> memref<1x2x128x128xf32, #tpu.memory_space<vmem>>
    %dma_wait3A_483 = tpu.memref_squeeze %dma_wait3A_482 : memref<1x2x128x128xf32, #tpu.memory_space<vmem>> -> memref<2x128x128xf32, #tpu.memory_space<vmem>>
    tpu.wait_dma2 semaphore(%arg14 : memref<!tpu.dma_semaphore, #tpu.memory_space<semaphore_mem>>) src(%dma_wait3A_483 : memref<2x128x128xf32, #tpu.memory_space<vmem>>) dst(%dma_wait3A_478 : memref<2x128x128xf32, #tpu.memory_space<hbm>>)
    %dma_wait3A_484 = arith.constant 2 : i32
    %dma_wait3A_485 = arith.constant 0 : i32
    %dma_wait3A_486 = arith.constant 0 : i32
    %dma_wait3A_487 = arith.constant 0 : i32
    %dma_wait3A_488 = tpu.memref_slice %arg6[%dma_wait3A_484, %dma_wait3A_485, %dma_wait3A_486, %dma_wait3A_487] : memref<3x2x128x128xf32, #tpu.memory_space<vmem>> -> memref<1x2x128x128xf32, #tpu.memory_space<vmem>>
    %dma_wait3A_489 = tpu.memref_squeeze %dma_wait3A_488 : memref<1x2x128x128xf32, #tpu.memory_space<vmem>> -> memref<2x128x128xf32, #tpu.memory_space<vmem>>
    %dma_wait3A_490 = arith.constant 0 : i32
    %dma_wait3A_491 = arith.constant 0 : i32
    %dma_wait3A_492 = tpu.memref_slice %arg4[%mul3A_2, %dma_wait3A_490, %dma_wait3A_491] : memref<6400x128x128xf32, #tpu.memory_space<hbm>> -> memref<2x128x128xf32, #tpu.memory_space<hbm>>
    %dma_wait3A_493 = arith.constant 0 : i32
    %dma_wait3A_494 = arith.constant 0 : i32
    %dma_wait3A_495 = tpu.memref_slice %arg4[%mul3A_2, %dma_wait3A_493, %dma_wait3A_494] : memref<6400x128x128xf32, #tpu.memory_space<hbm>> -> memref<2x128x128xf32, #tpu.memory_space<hbm>>
    %dma_wait3A_496 = arith.constant 0 : i32
    %dma_wait3A_497 = arith.constant 0 : i32
    %dma_wait3A_498 = arith.constant 0 : i32
    %dma_wait3A_499 = tpu.memref_slice %arg6[%dma_wait3A_484, %dma_wait3A_496, %dma_wait3A_497, %dma_wait3A_498] : memref<3x2x128x128xf32, #tpu.memory_space<vmem>> -> memref<1x2x128x128xf32, #tpu.memory_space<vmem>>
    %dma_wait3A_500 = tpu.memref_squeeze %dma_wait3A_499 : memref<1x2x128x128xf32, #tpu.memory_space<vmem>> -> memref<2x128x128xf32, #tpu.memory_space<vmem>>
    tpu.wait_dma2 semaphore(%arg15 : memref<!tpu.dma_semaphore, #tpu.memory_space<semaphore_mem>>) src(%dma_wait3A_500 : memref<2x128x128xf32, #tpu.memory_space<vmem>>) dst(%dma_wait3A_495 : memref<2x128x128xf32, #tpu.memory_space<hbm>>)
    return
  }
}

</mosaic_0001>

<sc_bundles>
// kernel: kernel.3.cloned.1.call-start
scs
__scs_entry_jumppad:
0x0: {  	(pc) =	sbr.rel $0x88, $3  }
0x1: {  	(tag) =	ssettag $0x0;
	lr =	simm.s32 $0x1  }
0x2: {  	[smem:$0x3F9F] =	sst lr;
	_ =	strace $0xD0000000  }
0x3: {  	_ = 	snop  }
0x4: {  	_ = 	snop  }
0x5: {  	_ = 	snop  }
0x6: {  	_ = 	snop  }
0x7: {  	_ = 	snop  }
__scs_overlays_trampoline_lowered:
0x8: {  	[smem:$0x3FAE] =	sst s0  }
0x9: {  	[smem:$0x3FAF] =	sst s1  }
0xa: {  	[smem:$0x3FB0] =	sst s2  }
0xb: {  	[smem:$0x3FB1] =	sst s3  }
0xc: {  	[smem:$0x3FB2] =	sst s4  }
0xd: {  	[smem:$0x3FB3] =	sst s5  }
0xe: {  	[smem:$0x3FB4] =	sst s6  }
0xf: {  	[smem:$0x3FB5] =	sst s7  }
0x10: {  	[smem:$0x3FB6] =	sst s8  }
0x11: {  	[smem:$0x3FB7] =	sst s9;
	s0 =	simm.s32 @!p0 $0x0  }
0x12: {  	s1 =	sld [smem:$0x3F9D];
	s0 =	simm.s32 @p0 $0x1  }
0x13: {  	[smem:$0x3FB8] =	sst s0;
	s0 =	simm.s32 @!p1 $0x0  }
0x14: {  	s2 =	sld [smem:$0x3F9C];
	s0 =	simm.s32 @p1 $0x1  }
0x15: {  	[smem:$0x3FB9] =	sst s0;
	s0 =	simm.s32 @!p2 $0x0  }
0x16: {  	s3 =	sld [smem:$0x3FDB];
	s0 =	simm.s32 @p2 $0x1  }
0x17: {  	s4 =	simm.s32 $0x1BF5;
	[smem:$0x3FBB] =	sst s0  }
0x18: {  	s0 =	sld [smem:$0x3F9E];
	_ =	swait.ge [sflag:s4], $0x0  }
0x19: {  	s7 =	sld [smem:$0x3F9F]  }
0x1a: {  	s8 =	sadd.s32 $0xFFFFE003, lr  }
0x1b: {  	s9 =	sadd.s32 $0xFFFFFEF7, lr;
	s5 =	simm.s32 $0xFFFFFFFF;
	p2 =	slt.u32 s8, $0xFFFFF086  }
0x1c: {  	p1 =	slt.u32 s9, $0xF7A;
	s5 =	simm.s32 @!p2 $0x0  }
0x1d: {  	s5 =	simm.s32 @p1 $0x1;
	p0 =	seq.s32 s7, s2  }
0x1e: {  	s7 =	smul.u32 @!p0 $0xF7A, s2;
	p2 =	seq.s32 @!p0 s5, $0x0  }
0x1f: {  	s9 =	smul.u32 $0xF7A, s1;
	s8 =	simm.s32 @!p0 $0x1BF5;
	p2 =	por !p2, p0  }
0x20: {  	[sflag:s8] =	ssyncset.s32 @!p0 $0xFFFFF086;
	s6 =	sadd.s32 @!p0 s3, s7;
	s7 =	simm.s32 @!p0 $0x108  }
0x21: {  	s3 =	sadd.s32 s3, s9;
	s6 =	sadd.s32 @!p0 $0x88, s6;
	s7 =	simm.s32 @p2 $0x1082  }
0x22: {  	[simem:s7], [sflag:s8] =	dma.local @!p0 [hbm:s6], $0xF7A  }
0x23: {  	s9 =	sor.u32 $0xD0000000, s2;
	s6 =	simm.s32 $0x108;
	_ =	swait.ge @!p0 [sflag:s8], $0x0  }
0x24: {  	s3 =	sadd.s32 $0x88, s3;
	s6 =	simm.s32 @!p1 $0x1082;
	[sflag:s4] =	ssyncset.s32 $0xFFFFF086  }
0x25: {  	[simem:s6], [sflag:s4] =	dma.local [hbm:s3], $0xF7A  }
0x26: {  	[smem:$0x3F9F] =	sst s1;
	(tag) =	ssettag s2;
	_ =	strace s9  }
0x27: {  	s1 =	sld [smem:$0x3FAF]  }
0x28: {  	s2 =	sld [smem:$0x3FB0]  }
0x29: {  	s4 =	sld [smem:$0x3FB2]  }
0x2a: {  	p0 =	seq.s32 s5, $0x0;
	s5 =	sld [smem:$0x3FB3]  }
0x2b: {  	s6 =	sld [smem:$0x3FB4]  }
0x2c: {  	s7 =	sld [smem:$0x3FB5]  }
0x2d: {  	s3 =	simm.s32 $0x108;
	s8 =	sld [smem:$0x3FB6]  }
0x2e: {  	s3 =	simm.s32 @!p0 $0x1082;
	s9 =	sld [smem:$0x3FB7]  }
0x2f: {  	lr =	sadd.s32 s0, s3;
	s0 =	sld [smem:$0x3FAE]  }
0x30: {  	s3 =	sld [smem:$0x3FB1]  }
0x31: {  	[smem:$0x3FBA] =	sst s10  }
0x32: {  	s10 =	sld [smem:$0x3FB8];
	_ =	sdelay $0x3  }
0x33: {  	p0 =	seq.s32 s10, $0x1;
	s10 =	sld [smem:$0x3FBA];
	_ =	sdelay $0x3  }
0x34: {  	[smem:$0x3FBA] =	sst s10  }
0x35: {  	s10 =	sld [smem:$0x3FB9];
	_ =	sdelay $0x3  }
0x36: {  	p1 =	seq.s32 s10, $0x1;
	s10 =	sld [smem:$0x3FBA];
	_ =	sdelay $0x3  }
0x37: {  	[smem:$0x3FBA] =	sst s10  }
0x38: {  	s10 =	sld [smem:$0x3FBB]  }
0x39: {  	_ = 	snop;
	(pc) =	sbr.ind lr, $3  }
0x3a: {  	_ = 	snop  }
0x3b: {  	_ = 	snop  }
0x3c: {  	p2 =	seq.s32 s10, $0x1;
	s10 =	sld [smem:$0x3FBA]  }
0x3d: {  	_ =	shalt  }
0x3e: {  	_ =	shalt  }
0x3f: {  	_ =	shalt  }
0x40: {  	_ =	shalt  }
0x41: {  	_ =	shalt  }
0x42: {  	_ =	shalt  }
0x43: {  	_ =	shalt  }
0x44: {  	_ =	shalt  }
0x45: {  	_ =	shalt  }
0x46: {  	_ =	shalt  }
0x47: {  	_ =	shalt  }
0x48: {  	_ =	shalt  }
0x49: {  	_ =	shalt  }
0x4a: {  	_ =	shalt  }
0x4b: {  	_ =	shalt  }
0x4c: {  	_ =	shalt  }
0x4d: {  	_ =	shalt  }
0x4e: {  	_ =	shalt  }
0x4f: {  	_ =	shalt  }
0x50: {  	_ =	shalt  }
0x51: {  	_ =	shalt  }
0x52: {  	_ =	shalt  }
0x53: {  	_ =	shalt  }
0x54: {  	_ =	shalt  }
0x55: {  	_ =	shalt  }
0x56: {  	_ =	shalt  }
0x57: {  	_ =	shalt  }
0x58: {  	_ =	shalt  }
0x59: {  	_ =	shalt  }
0x5a: {  	_ =	shalt  }
0x5b: {  	_ =	shalt  }
0x5c: {  	_ =	shalt  }
0x5d: {  	_ =	shalt  }
0x5e: {  	_ =	shalt  }
0x5f: {  	_ =	shalt  }
0x60: {  	_ =	shalt  }
0x61: {  	_ =	shalt  }
0x62: {  	_ =	shalt  }
0x63: {  	_ =	shalt  }
0x64: {  	_ =	shalt  }
0x65: {  	_ =	shalt  }
0x66: {  	_ =	shalt  }
0x67: {  	_ =	shalt  }
0x68: {  	_ =	shalt  }
0x69: {  	_ =	shalt  }
0x6a: {  	_ =	shalt  }
0x6b: {  	_ =	shalt  }
0x6c: {  	_ =	shalt  }
0x6d: {  	_ =	shalt  }
0x6e: {  	_ =	shalt  }
0x6f: {  	_ =	shalt  }
0x70: {  	_ =	shalt  }
0x71: {  	_ =	shalt  }
0x72: {  	_ =	shalt  }
0x73: {  	_ =	shalt  }
0x74: {  	_ =	shalt  }
0x75: {  	_ =	shalt  }
0x76: {  	_ =	shalt  }
0x77: {  	_ =	shalt  }
0x78: {  	_ =	shalt  }
0x79: {  	_ =	shalt  }
0x7a: {  	_ =	shalt  }
0x7b: {  	_ =	shalt  }
0x7c: {  	_ =	shalt  }
0x7d: {  	_ =	shalt  }
0x7e: {  	_ =	shalt  }
0x7f: {  	_ =	shalt  }
0x80: {  	_ =	shalt  }
0x81: {  	_ =	shalt  }
0x82: {  	_ =	shalt  }
0x83: {  	_ =	shalt  }
0x84: {  	_ =	shalt  }
0x85: {  	_ =	shalt  }
0x86: {  	_ =	shalt  }
0x87: {  	_ =	shalt  }
.Lfunc_end0:
.L_simem_size_0:
called_computation_lowered:
.L_overlay_start_0:
0x88: {  	s2 =	sld [smem:$0x3FD9]  }
0x89: {  	s3 =	sld [smem:$0x3FFE];
	_ =	sdelay $0x1  }
0x8a: {  	s1 =	srdreg.scid  }
0x8b: {  	s0 =	sand.u32 $0x1, s1  }
0x8c: {  	s17 =	sshll.u32 s0, $0xA;
	s2 =	sadd.s32 s3, s2  }
0x8d: {  	s2 =	sadd.s32 s2, s17  }
0x8e: {  	[smem:$0x3FC6] =	sst s2  }
0x8f: {  	_ = 	snop  }
0x90: {  	s2 =	sld [smem:$0x3FC8]  }
0x91: {  	s18 =	sld [smem:$0x3FD0];
	(tm) =	ssettm $0x1  }
0x92: {  	s4 =	sld [smem:$0x3FFB];
	_ =	sdelay $0x3  }
0x93: {  	_ =	strace s4  }
0x94: {  	s4 =	sld [smem:$0x3FFC];
	_ =	sdelay $0x3  }
0x95: {  	_ =	strace s4  }
0x96: {  	s4 =	sld [smem:$0x3FFD];
	_ =	sdelay $0x3  }
0x97: {  	_ =	strace s4  }
0x98: {  	_ =	strace $0x8FFFFFFF  }
0x99: {  	s19 =	sld [smem:$0x3FDB];
	_ =	sdelay $0x1  }
0x9a: {  	s5 =	simm.s32 $_scs_section_size  }
0x9b: {  	s6 =	simm.s32 $_size__tile_overlayer_lowered;
	s7 =	simm.s32 $_tile_overlayer_lowered  }
0x9c: {  	s22 =	simm.s32 $0x1BFF;
	s21 =	sshll.u32 s7, $0x1;
	s4 =	sadd.s32 s5, s19  }
0x9d: {  	s8 =	simm.s32 $0x0;
	s20 =	sshll.u32 s6, $0x1;
	s6 =	sadd.s32 s21, s4  }
0x9e: {  	[timem:s8], [sflag:s22] =	dma.local [hbm:s6], s20  }
0x9f: {  	_ =	swait.ge [sflag:s22], s20  }
0xa0: {  	s5 =	ssub.s32 $0x0, s20;
	[sflag:s22] =	ssyncset.done $0x0  }
0xa1: {  	[sflag:s22] =	ssyncadd.s32 s5;
	_ =	sdelay $0x1  }
0xa2: {  	s23 =	simm.s32 $0x1B8B  }
0xa3: {  	_ =	swait.ge [sflag:s23], $0x1  }
0xa4: {  	[sflag:s23] =	ssyncset.done $0x0  }
0xa5: {  	s25 =	simm.s32 $0x1B8E;
	s24 =	sld [smem:$0x3FFE];
	[sflag:s23] =	ssyncadd.s32 $0xFFFFFFFF  }
0xa6: {  	s26 =	simm.s32 $execute0_lowered;
	[smem:$0x3FD2] =	sst s25  }
0xa7: {  	s6 =	sshll.u32 s26, $0x1;
	_ =	strace $0x80000046;
	[dreg:$0x1] =	wrdreg $0xFFFFFFFF  }
0xa8: {  	s28 =	simm.s32 $_size_execute0_lowered;
	s4 =	sadd.s32 s4, s6;
	[dreg:$0x0] =	wrdreg $0x0  }
0xa9: {  	s6 =	sshll.u32 s28, $0x1;
	[dreg:$0x2] =	wrdreg s4  }
0xaa: {  	[dreg:$0x3] =	wrdreg s6  }
0xab: {  	[dreg:$0x4] =	wrdreg $0xC0  }
0xac: {  	_ =	task [dreg:s8], $0x5FFFF  }
0xad: {  	[dreg:$0x1] =	wrdreg $0xFFFFFFFF  }
0xae: {  	[dreg:$0x0] =	wrdreg $0x60  }
0xaf: {  	[dreg:$0x2] =	wrdreg s2  }
0xb0: {  	[dreg:$0x3] =	wrdreg s24  }
0xb1: {  	[dreg:$0x4] =	wrdreg s18  }
0xb2: {  	[dreg:$0x5] =	wrdreg $0x9  }
0xb3: {  	_ =	task.clear_ibuf [dreg:s8], $0x6FFFF;
	_ =	strace $0x90000046  }
0xb4: {  	s29 =	simm.s32 $0x9;
	_ =	strace $0x80000048  }
0xb5: {  	_ =	swait.ge [sflag:s29], $0x1  }
0xb6: {  	[sflag:s29] =	ssyncadd.s32 $0xFFFFFFFF  }
0xb7: {  	_ =	strace $0x90000048  }
0xb8: {  	_ =	sfence  }
0xb9: {  	s30 =	sld [smem:$0x0];
	_ =	sdelay $0x2  }
0xba: {  	s31 =	sshll.u32 s1, $0xD;
	s1 =	sshrl.u32 s1, $0x2  }
0xbb: {  	s3 =	sand.u32 $0x4000, s31;
	s1 =	sadd.s32 s1, s30  }
0xbc: {  	s0 =	sor.u32 s3, s0;
	s1 =	sshll.u32 s1, $0x11  }
0xbd: {  	s0 =	sor.u32 s1, s0  }
0xbe: {  	s0 =	sadd.s32 $0x8F2B, s0  }
0xbf: {  	[sflag:s0] =	ssyncadd.remote.s32 $0x1  }
0xc0: {  	_ =	sfence.sel $0xFFFF  }
0xc1: {  	[dreg:$0x0] =	wrdreg $0xFFFFFFFF;
	(pc) =	sbr.abs _section_cstart, $3  }
0xc2: {  	[dreg:$0x1] =	wrdreg $0xFFFFFFFF  }
0xc3: {  	_ =	task.clear_ibuf [dreg:s8], $0x2FFFF;
	_ =	strace $0x9FFFFFFF  }
0xc4: {  	(tm) =	ssettm $0x7FFFFFFF  }
0xc5: {  	_ =	shalt  }
tec
execute0_lowered:
.L_overlay_start_1:
0x0: {  	(tag) =	ssettag $0x1  }
0x1: {  	s1 =	rddreg [dreg:$0x0]  }
0x2: {  	s0 =	rddreg [dreg:$0x1]  }
0x3: {  	s2 =	srdreg.scid;
	s10 =	stileid.u32  }
0x4: {  	s5 =	rddreg [dreg:$0x2];
	s18 =	smul.u32 $0x190, s10  }
0x5: {  	s3 =	simm.s32 $0x0;
	s2 =	sand.u32 $0x1, s2;
	s21 =	smul.u32 $0xC800, s10  }
0x6: {  	s29 =	simm.s32 $0xC300;
	s4 =	sshll.u32 s10, $0x1;
	s20 =	smul.u32 $0xC8, s2  }
0x7: {  	s6 =	sor.u32 s2, s4;
	s11 =	ssub.s32 $0x2, s2;
	s2 =	smul.u32 $0x6400, s2  }
0x8: {  	s30 =	simm.s32 $0x4;
	s31 =	simm.s32 $0x3;
	s7 =	smul.u32 $0xC80, s6  }
0x9: {  	s28 =	simm.s32 $0x4300;
	[smem:$0x7FF] =	sst s3;
	s12 =	smul.u32 $0x64000, s6  }
0xa: {  	s10 =	simm.s32 $0x7;
	_ =	strace $0x80000047;
	s14 =	smul.u32 $0x6400, s6  }
0xb: {  	s4 =	sadd.s32 $0x400, s0;
	s8 =	sshrl.u32 s11, $0x1;
	s6 =	smul.u32 $0x320000, s6  }
0xc: {  	s0 =	ssub.s32 s11, s8;
	s8 =	sadd.s32 s20, s18;
	s20 =	simm.s32 $0x200  }
0xd: {  	s9 =	sadd.s32 s4, s7;
	s15 =	sadd.s32 s5, s12;
	s17 =	sshrl.u32 s14, $0x3  }
0xe: {  	s6 =	sshrl.u32 s6, $0x3;
	s23 =	sshll.u32 s8, $0xB;
	[dreg:$0x4] =	wrdreg s9  }
0xf: {  	s0 =	smax.u32 s0, $0x1;
	s8 =	simm.s32 $0x9;
	[dreg:$0x7] =	wrdreg s15  }
0x10: {  	s12 =	simm.s32 $0x0;
	s13 =	sadd.s32 $0x20, s9;
	[dreg:$0xd] =	wrdreg s0  }
0x11: {  	s11 =	sadd.s32 $0x40, s9;
	s16 =	sadd.s32 $0x60, s9;
	[dreg:$0x5] =	wrdreg s13  }
0x12: {  	s19 =	sadd.s32 $0x1000, s15;
	s7 =	sadd.s32 s4, s17;
	[dreg:$0x6] =	wrdreg s11  }
0x13: {  	s6 =	sadd.s32 s5, s6;
	s15 =	sadd.s32 s2, s21;
	[dreg:$0x8] =	wrdreg s16  }
0x14: {  	s24 =	sadd.s32 s23, s5;
	[dreg:$0x9] =	wrdreg s19;
	s7 =	sadd.s32 $0x80, s7  }
0x15: {  	s21 =	simm.s32 $0x1;
	s22 =	sadd.s32 $0x62000, s6;
	[dreg:$0xa] =	wrdreg s7  }
0x16: {  	s23 =	simm.s32 $0x300;
	s6 =	sadd.s32 $0x63000, s6;
	[dreg:$0xb] =	wrdreg s22  }
0x17: {  	s2 =	simm.s32 $0x10300;
	s25 =	sadd.s32 $0x4000, s24;
	[dreg:$0xc] =	wrdreg s6  }
0x18: {  	s9 =	simm.s32 $0x6;
	s26 =	sadd.s32 $0x2000, s24;
	[dreg:$0xe] =	wrdreg s25  }
0x19: {  	s0 =	sadd.s32 $0x3000, s24;
	s19 =	simm.s32 $0x100;
	[dreg:$0xf] =	wrdreg s26  }
0x1a: {  	s24 =	simm.s32 $0x180;
	s11 =	simm.s32 $0x8;
	[dreg:$0x10] =	wrdreg s0  }
0x1b: {  	s22 =	simm.s32 $0x80;
	s25 =	simm.s32 $0x2;
	s26 =	simm.s32 $0x8300  }
0x1c: {  	s0 =	simm.s32 $0x280;
	s6 =	simm.s32 $0x14300;
	s7 =	simm.s32 $0x5  }
.LBB2_1:
0x1d: {  	[dreg:$0x11] =	wrdreg s12  }
0x1e: {  	s5 =	rddreg [dreg:$0x4]  }
0x1f: {  	[tilespmem:s3], [sflag:$0x1] =	stream.linear.gather [hbm4b:s5+s3], $0x100, $0x38;
	[tilespmem:$0x18300] =	vst v63  }
0x20: {  	s14 =	rddreg [dreg:$0x5]  }
0x21: {  	[tilespmem:s19], [sflag:$0x2] =	stream.linear.gather [hbm4b:s14+s3], $0x100, $0x38;
	[tilespmem:$0x18300] =	vst v63  }
0x22: {  	s16 =	rddreg [dreg:$0x6]  }
0x23: {  	[tilespmem:s20], [sflag:$0x3] =	stream.linear.gather [hbm4b:s16+s3], $0x100, $0x38;
	[tilespmem:$0x18300] =	vst v63  }
0x24: {  	_ =	swait.ge [sflag:s21], $0x100  }
0x25: {  	[sflag:s21] =	ssyncset.done $0x0  }
0x26: {  	[sflag:s21] =	ssyncadd.s32 $0xFFFFFF00  }
0x27: {  	[tilespmem:s23], [sflag:$0x4] =	stream.indirect.gather [hbm4b:s1+s22], $0x80, s3, s22, $0xb8;
	[tilespmem:$0x18300] =	vst v63  }
0x28: {  	s12 =	simm.s32 $0x4300  }
0x29: {  	[tilespmem:s12], [sflag:$0x4] =	stream.indirect.gather [hbm4b:s1+s22], $0x80, s22, s22, $0xb8;
	[tilespmem:$0x18300] =	vst v63  }
0x2a: {  	_ =	swait.ge [sflag:s25], $0x100  }
0x2b: {  	[sflag:s25] =	ssyncset.done $0x0  }
0x2c: {  	[sflag:s25] =	ssyncadd.s32 $0xFFFFFF00  }
0x2d: {  	[tilespmem:s26], [sflag:$0x5] =	stream.indirect.gather [hbm4b:s1+s22], $0x80, s19, s22, $0xb8;
	[tilespmem:$0x18300] =	vst v63  }
0x2e: {  	_ = 	snop  }
0x2f: {  	[tilespmem:s29], [sflag:$0x5] =	stream.indirect.gather [hbm4b:s1+s22], $0x80, s24, s22, $0xb8;
	[tilespmem:$0x18300] =	vst v63  }
0x30: {  	_ =	swait.ge [sflag:s30], $0x4000  }
0x31: {  	[sflag:s30] =	ssyncset.done $0x0  }
0x32: {  	[sflag:s30] =	ssyncadd.s32 $0xFFFFC000  }
0x33: {  	_ =	swait.ge [sflag:s30], $0x4000  }
0x34: {  	[sflag:s30] =	ssyncset.done $0x0  }
0x35: {  	s17 =	rddreg [dreg:$0x7];
	[sflag:s30] =	ssyncadd.s32 $0xFFFFC000  }
0x36: {  	[hbm4b:s17+s3] =	stream.linear.scatter [tilespmem:s23], [sflag:$0x7], $0x8000, $0x38;
	[tilespmem:$0x18300] =	vst v63  }
0x37: {  	s18 =	rddreg [dreg:$0x8]  }
0x38: {  	[tilespmem:s3], [sflag:$0x1] =	stream.linear.gather [hbm4b:s18+s3], $0x100, $0x38;
	[tilespmem:$0x18300] =	vst v63  }
0x39: {  	_ =	swait.ge [sflag:s31], $0x100  }
0x3a: {  	[sflag:s31] =	ssyncset.done $0x0  }
0x3b: {  	[sflag:s31] =	ssyncadd.s32 $0xFFFFFF00  }
0x3c: {  	[tilespmem:s2], [sflag:$0x6] =	stream.indirect.gather [hbm4b:s1+s22], $0x80, s20, s22, $0xb8;
	[tilespmem:$0x18300] =	vst v63  }
0x3d: {  	_ = 	snop  }
0x3e: {  	[tilespmem:s6], [sflag:$0x6] =	stream.indirect.gather [hbm4b:s1+s22], $0x80, s0, s22, $0xb8;
	[tilespmem:$0x18300] =	vst v63  }
0x3f: {  	_ =	swait.ge [sflag:s7], $0x4000  }
0x40: {  	[sflag:s7] =	ssyncset.done $0x0  }
0x41: {  	[sflag:s7] =	ssyncadd.s32 $0xFFFFC000  }
0x42: {  	_ =	swait.ge [sflag:s7], $0x4000  }
0x43: {  	[sflag:s7] =	ssyncset.done $0x0  }
0x44: {  	s13 =	rddreg [dreg:$0x9];
	[sflag:s7] =	ssyncadd.s32 $0xFFFFC000  }
0x45: {  	[hbm4b:s13+s3] =	stream.linear.scatter [tilespmem:s26], [sflag:$0x8], $0x8000, $0x38;
	[tilespmem:$0x18300] =	vst v63  }
0x46: {  	s14 =	rddreg [dreg:$0xa]  }
0x47: {  	[tilespmem:s19], [sflag:$0x2] =	stream.linear.gather [hbm4b:s14+s3], $0x100, $0x38;
	[tilespmem:$0x18300] =	vst v63  }
0x48: {  	_ =	swait.ge [sflag:s9], $0x4000  }
0x49: {  	s16 =	sadd.s32 $0x0, s15;
	[sflag:s9] =	ssyncset.done $0x0  }
0x4a: {  	s13 =	simm.s32 $0x500;
	s14 =	sadd.s32 $0x500, s16;
	[sflag:s9] =	ssyncadd.s32 $0xFFFFC000  }
0x4b: {  	s13 =	sand.u32 $0x300, s13;
	s14 =	sand.u32 $0x1FFC00, s14;
	_ =	swait.ge [sflag:s9], $0x4000  }
0x4c: {  	s13 =	sor.u32 s13, s14;
	[sflag:s9] =	ssyncset.done $0x0  }
0x4d: {  	s13 =	sshrl.u32 s13, $0x3;
	s17 =	rddreg [dreg:$0xf];
	[sflag:s9] =	ssyncadd.s32 $0xFFFFC000  }
0x4e: {  	[hbm4b:s17+s3] =	stream.linear.scatter [tilespmem:s2], [sflag:$0x9], $0x8000, $0x38;
	[tilespmem:$0x18300] =	vst v63  }
0x4f: {  	s13 =	sadd.s32 s4, s13  }
0x50: {  	[tilespmem:s20], [sflag:$0x3] =	stream.linear.gather [hbm4b:s13+s3], $0x100, $0x38;
	[tilespmem:$0x18300] =	vst v63  }
0x51: {  	_ =	swait.ge [sflag:s10], $0x8000  }
0x52: {  	[sflag:s10] =	ssyncset.done $0x0  }
0x53: {  	[sflag:s10] =	ssyncadd.s32 $0xFFFF8000  }
0x54: {  	_ =	swait.ge [sflag:s21], $0x100  }
0x55: {  	[sflag:s21] =	ssyncset.done $0x0  }
0x56: {  	[sflag:s21] =	ssyncadd.s32 $0xFFFFFF00  }
0x57: {  	[tilespmem:s23], [sflag:$0x4] =	stream.indirect.gather [hbm4b:s1+s22], $0x80, s3, s22, $0xb8;
	[tilespmem:$0x18300] =	vst v63  }
0x58: {  	_ = 	snop  }
0x59: {  	[tilespmem:s12], [sflag:$0x4] =	stream.indirect.gather [hbm4b:s1+s22], $0x80, s22, s22, $0xb8;
	[tilespmem:$0x18300] =	vst v63  }
0x5a: {  	_ =	swait.ge [sflag:s30], $0x4000  }
0x5b: {  	[sflag:s30] =	ssyncset.done $0x0  }
0x5c: {  	s5 =	sadd.s32 $0x600, s16;
	s18 =	simm.s32 $0x600;
	[sflag:s30] =	ssyncadd.s32 $0xFFFFC000  }
0x5d: {  	s5 =	sand.u32 $0x1FFC00, s5;
	s13 =	sand.u32 $0x300, s18;
	_ =	swait.ge [sflag:s30], $0x4000  }
0x5e: {  	s5 =	sor.u32 s13, s5;
	[sflag:s30] =	ssyncset.done $0x0  }
0x5f: {  	s5 =	sshrl.u32 s5, $0x3;
	s18 =	rddreg [dreg:$0x10];
	[sflag:s30] =	ssyncadd.s32 $0xFFFFC000  }
0x60: {  	[hbm4b:s18+s3] =	stream.linear.scatter [tilespmem:s23], [sflag:$0x7], $0x8000, $0x38;
	[tilespmem:$0x18300] =	vst v63  }
0x61: {  	s5 =	sadd.s32 s4, s5  }
0x62: {  	[tilespmem:s3], [sflag:$0x1] =	stream.linear.gather [hbm4b:s5+s3], $0x100, $0x38;
	[tilespmem:$0x18300] =	vst v63  }
0x63: {  	_ =	swait.ge [sflag:s11], $0x8000  }
0x64: {  	[sflag:s11] =	ssyncset.done $0x0  }
0x65: {  	[sflag:s11] =	ssyncadd.s32 $0xFFFF8000  }
0x66: {  	_ =	swait.ge [sflag:s25], $0x100  }
0x67: {  	[sflag:s25] =	ssyncset.done $0x0  }
0x68: {  	[sflag:s25] =	ssyncadd.s32 $0xFFFFFF00  }
0x69: {  	[tilespmem:s26], [sflag:$0x5] =	stream.indirect.gather [hbm4b:s1+s22], $0x80, s19, s22, $0xb8;
	[tilespmem:$0x18300] =	vst v63  }
0x6a: {  	_ = 	snop  }
0x6b: {  	[tilespmem:s29], [sflag:$0x5] =	stream.indirect.gather [hbm4b:s1+s22], $0x80, s24, s22, $0xb8;
	[tilespmem:$0x18300] =	vst v63  }
0x6c: {  	p0 =	por $0x0, $0x0;
	_ =	swait.ge [sflag:s7], $0x4000  }
0x6d: {  	s5 =	sadd.s32 @!p0 $0x0, s15;
	[sflag:s7] =	ssyncset.done $0x0  }
0x6e: {  	s13 =	simm.s32 $0x300;
	s5 =	sadd.s32 @!p0 $0x700, s5;
	[sflag:s7] =	ssyncadd.s32 $0xFFFFC000  }
0x6f: {  	s14 =	sand.u32 @!p0 $0x300, s13;
	s5 =	sand.u32 @!p0 $0x7FFFFC00, s5;
	_ =	swait.ge [sflag:s7], $0x4000  }
0x70: {  	s5 =	sor.u32 @!p0 s14, s5;
	[sflag:s7] =	ssyncset.done $0x0  }
0x71: {  	s5 =	sshrl.u32 @!p0 s5, $0x3;
	s24 =	rddreg [dreg:$0xe];
	[sflag:s7] =	ssyncadd.s32 $0xFFFFC000  }
0x72: {  	[hbm4b:s24+s3] =	stream.linear.scatter [tilespmem:s26], [sflag:$0x8], $0x8000, $0x38;
	[tilespmem:$0x18300] =	vst v63  }
0x73: {  	s16 =	simm.s32 @!p0 $0x0;
	s14 =	simm.s32 @!p0 $0x100;
	s5 =	sadd.s32 @!p0 s4, s5  }
0x74: {  	[tilespmem:s14], [sflag:$0x2] =	stream.linear.gather @!p0 [hbm4b:s5+s16], $0x100, $0x38;
	[tilespmem:$0x18300] =	vst v63  }
0x75: {  	_ =	swait.ge [sflag:s8], $0x8000  }
0x76: {  	[sflag:s8] =	ssyncset.done $0x0  }
0x77: {  	[sflag:s8] =	ssyncadd.s32 $0xFFFF8000  }
0x78: {  	_ =	swait.ge [sflag:s31], $0x100  }
0x79: {  	[sflag:s31] =	ssyncset.done $0x0  }
0x7a: {  	s14 =	sadd.s32 $0x3000, s18;
	s16 =	smov.u32 s24;
	[sflag:s31] =	ssyncadd.s32 $0xFFFFFF00  }
0x7b: {  	[tilespmem:s2], [sflag:$0x6] =	stream.indirect.gather [hbm4b:s1+s22], $0x80, s20, s22, $0xb8;
	[tilespmem:$0x18300] =	vst v63  }
.LBB2_2:
0x7c: {  	s16 =	sadd.s32 $0x3000, s16  }
0x7d: {  	s17 =	sadd.s32 $0x3000, s17;
	s5 =	smov.u32 s13;
	s13 =	sadd.s32 $0x300, s13  }
0x7e: {  	[tilespmem:s6], [sflag:$0x6] =	stream.indirect.gather [hbm4b:s1+s22], $0x80, s0, s22, $0xb8;
	[tilespmem:$0x18300] =	vst v63  }
0x7f: {  	s18 =	sadd.s32 $0x600, s5  }
0x80: {  	p0 =	sne.s32 s13, $0x6000;
	s12 =	sadd.s32 s5, s15;
	_ =	swait.ge [sflag:s9], $0x4000  }
0x81: {  	s19 =	sadd.s32 $0x500, s5;
	s18 =	sand.u32 $0x300, s18;
	[sflag:s9] =	ssyncset.done $0x0  }
0x82: {  	s24 =	sadd.s32 $0x500, s12;
	s19 =	sand.u32 $0x300, s19;
	[sflag:s9] =	ssyncadd.s32 $0xFFFFC000  }
0x83: {  	s12 =	sadd.s32 $0x600, s12;
	s24 =	sand.u32 $0x1FFC00, s24;
	_ =	swait.ge [sflag:s9], $0x4000  }
0x84: {  	s19 =	sor.u32 s19, s24;
	s24 =	simm.s32 $0x180;
	[sflag:s9] =	ssyncset.done $0x0  }
0x85: {  	s12 =	sand.u32 $0x1FFC00, s12;
	s19 =	sshrl.u32 s19, $0x3;
	[sflag:s9] =	ssyncadd.s32 $0xFFFFC000  }
0x86: {  	[hbm4b:s17+s3] =	stream.linear.scatter [tilespmem:s2], [sflag:$0x9], $0x8000, $0x38;
	[tilespmem:$0x18300] =	vst v63  }
0x87: {  	s12 =	sor.u32 s18, s12;
	s19 =	sadd.s32 s4, s19  }
0x88: {  	[tilespmem:s20], [sflag:$0x3] =	stream.linear.gather [hbm4b:s19+s3], $0x100, $0x38;
	[tilespmem:$0x18300] =	vst v63  }
0x89: {  	s19 =	simm.s32 $0x100  }
0x8a: {  	s12 =	sshrl.u32 s12, $0x3;
	_ =	swait.ge [sflag:s10], $0x8000  }
0x8b: {  	[sflag:s10] =	ssyncset.done $0x0  }
0x8c: {  	[sflag:s10] =	ssyncadd.s32 $0xFFFF8000  }
0x8d: {  	_ =	swait.ge [sflag:s21], $0x100  }
0x8e: {  	[sflag:s21] =	ssyncset.done $0x0  }
0x8f: {  	[sflag:s21] =	ssyncadd.s32 $0xFFFFFF00  }
0x90: {  	[tilespmem:s23], [sflag:$0x4] =	stream.indirect.gather [hbm4b:s1+s22], $0x80, s3, s22, $0xb8;
	[tilespmem:$0x18300] =	vst v63  }
0x91: {  	_ = 	snop  }
0x92: {  	[tilespmem:s28], [sflag:$0x4] =	stream.indirect.gather [hbm4b:s1+s22], $0x80, s22, s22, $0xb8;
	[tilespmem:$0x18300] =	vst v63  }
0x93: {  	_ =	swait.ge [sflag:s30], $0x4000  }
0x94: {  	[sflag:s30] =	ssyncset.done $0x0  }
0x95: {  	[sflag:s30] =	ssyncadd.s32 $0xFFFFC000  }
0x96: {  	_ =	swait.ge [sflag:s30], $0x4000  }
0x97: {  	[sflag:s30] =	ssyncset.done $0x0  }
0x98: {  	s12 =	sadd.s32 s4, s12;
	[sflag:s30] =	ssyncadd.s32 $0xFFFFC000  }
0x99: {  	[hbm4b:s14+s3] =	stream.linear.scatter [tilespmem:s23], [sflag:$0x7], $0x8000, $0x38;
	[tilespmem:$0x18300] =	vst v63  }
0x9a: {  	_ = 	snop  }
0x9b: {  	[tilespmem:s3], [sflag:$0x1] =	stream.linear.gather [hbm4b:s12+s3], $0x100, $0x38;
	[tilespmem:$0x18300] =	vst v63  }
0x9c: {  	_ =	swait.ge [sflag:s11], $0x8000  }
0x9d: {  	[sflag:s11] =	ssyncset.done $0x0  }
0x9e: {  	[sflag:s11] =	ssyncadd.s32 $0xFFFF8000  }
0x9f: {  	_ =	swait.ge [sflag:s25], $0x100  }
0xa0: {  	[sflag:s25] =	ssyncset.done $0x0  }
0xa1: {  	[sflag:s25] =	ssyncadd.s32 $0xFFFFFF00  }
0xa2: {  	[tilespmem:s26], [sflag:$0x5] =	stream.indirect.gather [hbm4b:s1+s22], $0x80, s19, s22, $0xb8;
	[tilespmem:$0x18300] =	vst v63  }
0xa3: {  	_ = 	snop  }
0xa4: {  	[tilespmem:s29], [sflag:$0x5] =	stream.indirect.gather [hbm4b:s1+s22], $0x80, s24, s22, $0xb8;
	[tilespmem:$0x18300] =	vst v63  }
0xa5: {  	p1 =	seq.s32 s5, $0x5D00;
	_ =	swait.ge [sflag:s7], $0x4000  }
0xa6: {  	s5 =	sadd.s32 @!p1 s5, s15;
	[sflag:s7] =	ssyncset.done $0x0  }
0xa7: {  	s5 =	sadd.s32 @!p1 $0x700, s5;
	[sflag:s7] =	ssyncadd.s32 $0xFFFFC000  }
0xa8: {  	s5 =	sand.u32 @!p1 $0x7FFFFC00, s5;
	s12 =	sand.u32 @!p1 $0x300, s13;
	_ =	swait.ge [sflag:s7], $0x4000  }
0xa9: {  	s5 =	sor.u32 @!p1 s12, s5;
	s12 =	simm.s32 @!p1 $0x100;
	[sflag:s7] =	ssyncset.done $0x0  }
0xaa: {  	s18 =	simm.s32 @!p1 $0x0;
	s5 =	sshrl.u32 @!p1 s5, $0x3;
	[sflag:s7] =	ssyncadd.s32 $0xFFFFC000  }
0xab: {  	[hbm4b:s16+s3] =	stream.linear.scatter [tilespmem:s26], [sflag:$0x8], $0x8000, $0x38;
	[tilespmem:$0x18300] =	vst v63  }
0xac: {  	s5 =	sadd.s32 @!p1 s4, s5  }
0xad: {  	[tilespmem:s12], [sflag:$0x2] =	stream.linear.gather @!p1 [hbm4b:s5+s18], $0x100, $0x38;
	[tilespmem:$0x18300] =	vst v63  }
0xae: {  	_ =	swait.ge [sflag:s8], $0x8000  }
0xaf: {  	[sflag:s8] =	ssyncset.done $0x0  }
.Ltmp0:
0xb0: {  	[sflag:s8] =	ssyncadd.s32 $0xFFFF8000;
	(pc) =	sbr.rel @p0 .LBB2_2-.Ltmp0, $4  }
0xb1: {  	_ =	swait.ge [sflag:s31], $0x100  }
0xb2: {  	[sflag:s31] =	ssyncset.done $0x0  }
0xb3: {  	s14 =	sadd.s32 $0x3000, s14;
	[sflag:s31] =	ssyncadd.s32 $0xFFFFFF00  }
0xb4: {  	[tilespmem:s2], [sflag:$0x6] =	stream.indirect.gather [hbm4b:s1+s22], $0x80, s20, s22, $0xb8;
	[tilespmem:$0x18300] =	vst v63  }
0xb5: {  	[tilespmem:s6], [sflag:$0x6] =	stream.indirect.gather [hbm4b:s1+s22], $0x80, s0, s22, $0xb8;
	[tilespmem:$0x18300] =	vst v63  }
0xb6: {  	_ =	swait.ge [sflag:s9], $0x4000  }
0xb7: {  	[sflag:s9] =	ssyncset.done $0x0  }
0xb8: {  	[sflag:s9] =	ssyncadd.s32 $0xFFFFC000  }
0xb9: {  	_ =	swait.ge [sflag:s9], $0x4000  }
0xba: {  	[sflag:s9] =	ssyncset.done $0x0  }
0xbb: {  	s5 =	rddreg [dreg:$0xb];
	[sflag:s9] =	ssyncadd.s32 $0xFFFFC000  }
0xbc: {  	[hbm4b:s5+s3] =	stream.linear.scatter [tilespmem:s2], [sflag:$0x9], $0x8000, $0x38;
	[tilespmem:$0x18300] =	vst v63  }
0xbd: {  	_ =	swait.ge [sflag:s10], $0x8000  }
0xbe: {  	[sflag:s10] =	ssyncset.done $0x0  }
0xbf: {  	[sflag:s10] =	ssyncadd.s32 $0xFFFF8000  }
0xc0: {  	_ =	swait.ge [sflag:s21], $0x100  }
0xc1: {  	[sflag:s21] =	ssyncset.done $0x0  }
0xc2: {  	[sflag:s21] =	ssyncadd.s32 $0xFFFFFF00  }
0xc3: {  	[tilespmem:s23], [sflag:$0x4] =	stream.indirect.gather [hbm4b:s1+s22], $0x80, s3, s22, $0xb8;
	[tilespmem:$0x18300] =	vst v63  }
0xc4: {  	_ = 	snop  }
0xc5: {  	[tilespmem:s28], [sflag:$0x4] =	stream.indirect.gather [hbm4b:s1+s22], $0x80, s22, s22, $0xb8;
	[tilespmem:$0x18300] =	vst v63  }
0xc6: {  	_ =	swait.ge [sflag:s30], $0x4000  }
0xc7: {  	[sflag:s30] =	ssyncset.done $0x0  }
0xc8: {  	[sflag:s30] =	ssyncadd.s32 $0xFFFFC000  }
0xc9: {  	_ =	swait.ge [sflag:s30], $0x4000  }
0xca: {  	[sflag:s30] =	ssyncset.done $0x0  }
0xcb: {  	s17 =	rddreg [dreg:$0xc];
	[sflag:s30] =	ssyncadd.s32 $0xFFFFC000  }
0xcc: {  	[hbm4b:s17+s3] =	stream.linear.scatter [tilespmem:s23], [sflag:$0x7], $0x8000, $0x38;
	[tilespmem:$0x18300] =	vst v63  }
0xcd: {  	_ =	swait.ge [sflag:s10], $0x8000  }
0xce: {  	[sflag:s10] =	ssyncset.done $0x0  }
0xcf: {  	[sflag:s10] =	ssyncadd.s32 $0xFFFF8000  }
0xd0: {  	_ =	swait.ge [sflag:s11], $0x8000  }
0xd1: {  	[sflag:s11] =	ssyncset.done $0x0  }
0xd2: {  	[sflag:s11] =	ssyncadd.s32 $0xFFFF8000  }
0xd3: {  	_ =	swait.ge [sflag:s8], $0x8000  }
0xd4: {  	s12 =	rddreg [dreg:$0x11]  }
0xd5: {  	s18 =	rddreg [dreg:$0xd];
	s12 =	sadd.s32 $0x1, s12  }
0xd6: {  	p0 =	sne.s32 s12, s18  }
.Ltmp1:
0xd7: {  	_ = 	snop;
	(pc) =	sbr.rel @p0 .LBB2_1-.Ltmp1, $3  }
0xd8: {  	_ =	sdelay $0x1  }
0xd9: {  	[sflag:s8] =	ssyncset.done $0x0  }
0xda: {  	[sflag:s8] =	ssyncadd.s32 $0xFFFF8000  }
0xdb: {  	_ =	sfence.sel $0x180000  }
0xdc: {  	[bflag:$0x0] =	sbarrier.arrive $0xFFFF  }
0xdd: {  	_ =	strace $0x90000047  }
0xde: {  	s0 =	stileid.u32;
	[bflag:$0x2] =	sbarrier.arrive $0xFFFF  }
0xdf: {  	p0 =	sne.s32 s0, $0x0;
	s0 =	rddreg [dreg:$0x3]  }
0xe0: {  	s0 =	sadd.s32 @!p0 $0x100000, s0  }
0xe1: {  	[sflag:s0] =	ssyncadd.tile.s32 @!p0 $0x1;
	_ =	shalt  }
.Lfunc_end2:
_tile_overlayer_lowered:
.L_overlay_start_2:
0xe2: {  	(tag) =	ssettag $0x2  }
0xe3: {  	s0 =	rddreg [dreg:$0x0];
	s2 =	stileid.u32  }
0xe4: {  	s1 =	rddreg [dreg:$0x1];
	p0 =	sne.s32 s2, $0x0  }
0xe5: {  	s3 =	rddreg [dreg:$0x2];
	[bflag:$0x3] =	sbarrier.arrive $0xFFFF;
	s2 =	simm.s32 @!p0 $0x1C0A  }
0xe6: {  	[timem:s3], [sflag:s2] =	dma.local @!p0 [hbm:s0], s1  }
0xe7: {  	s0 =	simm.s32 @!p0 $0xA  }
0xe8: {  	_ =	swait.ge @!p0 [sflag:s0], s1  }
0xe9: {  	s1 =	ssub.s32 @!p0 $0x0, s1;
	[sflag:s0] =	ssyncset.done @!p0 $0x0  }
0xea: {  	[sflag:s0] =	ssyncadd.s32 @!p0 s1  }
0xeb: {  	[bflag:$0x3] =	sbarrier.arrive $0xFFFF  }
0xec: {  	_ =	shalt  }

</sc_bundles>
